<compile_context>
chip_gen: v7x
topology: tpu7x:2x2x1
jax: 0.10.2.dev20260603
libtpu: 0.0.44.dev20260713+nightly
codegen_flags: <defaults>
</compile_context>

<pallas_src>
import functools

import jax
import jax.numpy as jnp
from jax import lax
from jax.experimental import pallas as pl
from jax.experimental.pallas import tpu as pltpu
from jax.experimental.pallas import tpu_sc as plsc

NC = 2
NS = 16
NW = NC * NS
EB = 80
DW = 128
BLK = 400


@functools.lru_cache(maxsize=None)
def _make_deg(np_, e):
  e_per_w = e // NW
  n_chunks = e_per_w // EB
  rows_per_s = np_ // NS
  mesh = plsc.VectorSubcoreMesh(core_axis_name="c", subcore_axis_name="s")

  @functools.partial(
      pl.kernel,
      out_type=jax.ShapeDtypeStruct((NC, np_, DW), jnp.float32),
      mesh=mesh,
      scratch_types=[
          pltpu.VMEM((EB,), jnp.int32),
          pltpu.VMEM((EB, DW), jnp.float32),
          pltpu.VMEM_SHARED((np_, DW), jnp.float32),
      ],
  )
  def deg_kernel(dst_hbm, zeros_hbm, ones_hbm, out_hbm, dst_v, ones_v, acc_sh):
    cid = lax.axis_index("c")
    sid = lax.axis_index("s")
    r0 = sid * rows_per_s
    pltpu.sync_copy(zeros_hbm.at[pl.ds(r0, rows_per_s)],
                    acc_sh.at[pl.ds(r0, rows_per_s)])
    pltpu.sync_copy(ones_hbm, ones_v)
    plsc.subcore_barrier()
    ebase = (cid * NS + sid) * e_per_w

    def body(i, carry):
      off = ebase + i * EB
      pltpu.sync_copy(dst_hbm.at[pl.ds(off, EB)], dst_v)
      pltpu.sync_copy(ones_v, acc_sh.at[dst_v], add=True)
      return carry

    lax.fori_loop(0, n_chunks, body, 0)
    plsc.subcore_barrier()
    pltpu.sync_copy(acc_sh.at[pl.ds(r0, rows_per_s)],
                    out_hbm.at[cid, pl.ds(r0, rows_per_s)])

  return deg_kernel


@functools.lru_cache(maxsize=None)
def _make_agg(np_, e, d):
  e_per_w = e // NW
  n_chunks = e_per_w // EB
  rows_per_s = np_ // NS
  mesh = plsc.VectorSubcoreMesh(core_axis_name="c", subcore_axis_name="s")

  @functools.partial(
      pl.kernel,
      out_type=jax.ShapeDtypeStruct((NC, np_, d), jnp.float32),
      mesh=mesh,
      scratch_types=[
          pltpu.VMEM((EB,), jnp.int32),
          pltpu.VMEM((EB,), jnp.int32),
          pltpu.VMEM((EB, d), jnp.float32),
          pltpu.VMEM_SHARED((np_, d), jnp.float32),
          pltpu.SemaphoreType.DMA,
      ],
  )
  def agg_kernel(y_hbm, src_hbm, dst_hbm, zeros_hbm, out_hbm,
                 src_v, dst_v, rows_v, acc_sh, sem):
    cid = lax.axis_index("c")
    sid = lax.axis_index("s")
    r0 = sid * rows_per_s
    pltpu.sync_copy(zeros_hbm.at[pl.ds(r0, rows_per_s)],
                    acc_sh.at[pl.ds(r0, rows_per_s)])
    plsc.subcore_barrier()
    ebase = (cid * NS + sid) * e_per_w

    def body(i, carry):
      off = ebase + i * EB
      pltpu.sync_copy(src_hbm.at[pl.ds(off, EB)], src_v)
      pltpu.sync_copy(dst_hbm.at[pl.ds(off, EB)], dst_v)
      pltpu.async_copy(y_hbm.at[src_v], rows_v, sem).wait()
      pltpu.sync_copy(rows_v, acc_sh.at[dst_v], add=True)
      return carry

    lax.fori_loop(0, n_chunks, body, 0)
    plsc.subcore_barrier()
    pltpu.sync_copy(acc_sh.at[pl.ds(r0, rows_per_s)],
                    out_hbm.at[cid, pl.ds(r0, rows_per_s)])

  return agg_kernel


def _tc_layer0(x, w, deg_p):
  n, d_in = x.shape
  d_h = w.shape[1]

  def body(x_ref, w_ref, deg_ref, y_ref, dinv_ref):
    deg = (deg_ref[0] + deg_ref[1])[:, :1]
    dinv = jnp.where(deg > 0, lax.rsqrt(jnp.maximum(deg, 1.0)), 0.0)
    dinv_ref[...] = dinv
    t = jnp.dot(x_ref[...], w_ref[...], preferred_element_type=jnp.float32)
    y_ref[...] = t * dinv

  return pl.pallas_call(
      body,
      grid=(n // BLK,),
      in_specs=[
          pl.BlockSpec((BLK, d_in), lambda i: (i, 0)),
          pl.BlockSpec((d_in, d_h), lambda i: (0, 0)),
          pl.BlockSpec((2, BLK, DW), lambda i: (0, i, 0)),
      ],
      out_specs=[
          pl.BlockSpec((BLK, d_h), lambda i: (i, 0)),
          pl.BlockSpec((BLK, 1), lambda i: (i, 0)),
      ],
      out_shape=[
          jax.ShapeDtypeStruct((n, d_h), jnp.float32),
          jax.ShapeDtypeStruct((n, 1), jnp.float32),
      ],
  )(x, w, deg_p)


def _tc_mid(p, dinv, b, w):
  n = dinv.shape[0]
  d = p.shape[2]
  d2 = w.shape[1]

  def body(p_ref, dinv_ref, b_ref, w_ref, y_ref):
    s = p_ref[0] + p_ref[1]
    dv = dinv_ref[...]
    h = jnp.maximum(s * dv + b_ref[...], 0.0)
    y_ref[...] = jnp.dot(h, w_ref[...], preferred_element_type=jnp.float32) * dv

  return pl.pallas_call(
      body,
      grid=(n // BLK,),
      in_specs=[
          pl.BlockSpec((2, BLK, d), lambda i: (0, i, 0)),
          pl.BlockSpec((BLK, 1), lambda i: (i, 0)),
          pl.BlockSpec((1, d), lambda i: (0, 0)),
          pl.BlockSpec((d, d2), lambda i: (0, 0)),
      ],
      out_specs=pl.BlockSpec((BLK, d2), lambda i: (i, 0)),
      out_shape=jax.ShapeDtypeStruct((n, d2), jnp.float32),
  )(p, dinv, b, w)


def _tc_mid_nomm(p, dinv, b):
  n = dinv.shape[0]
  d = p.shape[2]

  def body(p_ref, dinv_ref, b_ref, y_ref):
    s = p_ref[0] + p_ref[1]
    dv = dinv_ref[...]
    y_ref[...] = jnp.maximum(s * dv + b_ref[...], 0.0) * dv

  return pl.pallas_call(
      body,
      grid=(n // BLK,),
      in_specs=[
          pl.BlockSpec((2, BLK, d), lambda i: (0, i, 0)),
          pl.BlockSpec((BLK, 1), lambda i: (i, 0)),
          pl.BlockSpec((1, d), lambda i: (0, 0)),
      ],
      out_specs=pl.BlockSpec((BLK, d), lambda i: (i, 0)),
      out_shape=jax.ShapeDtypeStruct((n, d), jnp.float32),
  )(p, dinv, b)


def _tc_final(p, dinv, b, w):
  n = dinv.shape[0]
  d = p.shape[2]
  d2 = w.shape[1]

  def body(p_ref, dinv_ref, b_ref, w_ref, y_ref):
    s = (p_ref[0] + p_ref[1]) * dinv_ref[...]
    y_ref[...] = jnp.dot(s, w_ref[...],
                         preferred_element_type=jnp.float32) + b_ref[...]

  return pl.pallas_call(
      body,
      grid=(n // BLK,),
      in_specs=[
          pl.BlockSpec((2, BLK, d), lambda i: (0, i, 0)),
          pl.BlockSpec((BLK, 1), lambda i: (i, 0)),
          pl.BlockSpec((1, d2), lambda i: (0, 0)),
          pl.BlockSpec((d, d2), lambda i: (0, 0)),
      ],
      out_specs=pl.BlockSpec((BLK, d2), lambda i: (i, 0)),
      out_shape=jax.ShapeDtypeStruct((n, d2), jnp.float32),
  )(p, dinv, b, w)


def kernel(features, edge_index, W1, b1, W2, b2, W3, b3):
  n, _ = features.shape
  e = edge_index.shape[1]
  d_h = W1.shape[1]
  d_out = W3.shape[1]
  src = edge_index[0]
  dst = edge_index[1]
  np_ = ((n + NS * 8 - 1) // (NS * 8)) * (NS * 8)

  zeros_h = jnp.zeros((np_, d_h), jnp.float32)
  zeros_dw = jnp.zeros((np_, DW), jnp.float32)
  ones_eb = jnp.ones((EB, DW), jnp.float32)

  deg_p = _make_deg(np_, e)(dst, zeros_dw, ones_eb)

  y1, dinv = _tc_layer0(features, W1, deg_p)
  p = _make_agg(np_, e, d_h)(y1, src, dst, zeros_h)
  y2 = _tc_mid(p, dinv, b1.reshape(1, -1), W2)
  p = _make_agg(np_, e, d_h)(y2, src, dst, zeros_h)
  y3 = _tc_mid_nomm(p, dinv, b2.reshape(1, -1))
  p = _make_agg(np_, e, d_h)(y3, src, dst, zeros_h)
  return _tc_final(p, dinv, b3.reshape(1, -1), W3)

# --- scband reference (transcript-rebuilt; emitter-appended) ---
"""Pipeline reference for scband-gcn-encoder-18210661335506 (READ-ONLY COPY).

The authoritative reference and input builder live on the scoring server;
editing this copy changes nothing except your own understanding.
"""

import jax, jax.numpy as jnp
import numpy as np

N = 10000
E = 320000
D_IN = 128
D_H = 128
D_OUT = 64


def setup_inputs(seed: int = 0) -> dict:
    key = jax.random.key(seed)
    ks = jax.random.split(key, 9)
    features = jax.random.normal(ks[0], (N, D_IN), dtype=jnp.float32)
    edge_index = jax.random.randint(ks[1], (2, E), 0, N, dtype=jnp.int32)
    W1 = jax.random.normal(ks[2], (D_IN, D_H), dtype=jnp.float32) * 0.05
    b1 = jnp.zeros((D_H,), dtype=jnp.float32)
    W2 = jax.random.normal(ks[3], (D_H, D_H), dtype=jnp.float32) * 0.05
    b2 = jnp.zeros((D_H,), dtype=jnp.float32)
    W3 = jax.random.normal(ks[4], (D_H, D_OUT), dtype=jnp.float32) * 0.05
    b3 = jnp.zeros((D_OUT,), dtype=jnp.float32)
    return {"features": features, "edge_index": edge_index, "W1": W1, "b1": b1, "W2": W2, "b2": b2, "W3": W3, "b3": b3}


def _gcn_layer(x, src, dst, deg_inv_sqrt, W, b, act):
    # DGL GraphConv with norm='both': h_i = act( sum_{j->i} (d_j d_i)^{-1/2} h_j W + b )
    x = x * deg_inv_sqrt[:, None]
    m = jnp.take(x, src, axis=0)
    agg = jax.ops.segment_sum(m, dst, num_segments=N)
    agg = agg * deg_inv_sqrt[:, None]
    out = agg @ W + b
    if act:
        out = jax.nn.relu(out)
    return out


def reference(features, edge_index, W1, b1, W2, b2, W3, b3):
    src = edge_index[0]
    dst = edge_index[1]
    deg = jax.ops.segment_sum(jnp.ones((E,), dtype=jnp.float32), dst, num_segments=N)
    deg_inv_sqrt = jnp.where(deg > 0, jax.lax.rsqrt(jnp.maximum(deg, 1.0)), 0.0)
    # layer 0 (in_feats -> n_hidden, relu); dropout p=0.0 => identity in eval
    h = _gcn_layer(features, src, dst, deg_inv_sqrt, W1, b1, True)
    # layer 1 (n_hidden -> n_hidden, relu)
    h = _gcn_layer(h, src, dst, deg_inv_sqrt, W2, b2, True)
    # layer 2 (n_hidden -> n_classes, no activation)
    h = _gcn_layer(h, src, dst, deg_inv_sqrt, W3, b3, False)
    return h

if __name__ == "__main__":
    import jax
    _d = setup_inputs()
    print(jax.jit(kernel)(*tuple(_d.values())))

</pallas_src>

<mosaic_0001>
#map = affine_map<(d0, d1) -> (0, 0)>
#map1 = affine_map<(d0, d1) -> (0)>
#map2 = affine_map<(d0, d1) -> (0, 0, 0)>
module attributes {stable_mosaic.version = 14 : i64} {
  func.func @agg_kernel(%arg0: i32, %arg1: i32, %arg2: memref<10000x128xf32, #tpu.memory_space<hbm>>, %arg3: memref<320000xi32, #tpu.memory_space<hbm>>, %arg4: memref<320000xi32, #tpu.memory_space<hbm>>, %arg5: memref<10112x128xf32, #tpu.memory_space<hbm>>, %arg6: memref<2x10112x128xf32, #tpu.memory_space<hbm>>, %arg7: memref<80xi32, #tpu.memory_space<vmem>>, %arg8: memref<80xi32, #tpu.memory_space<vmem>>, %arg9: memref<80x128xf32, #tpu.memory_space<vmem>>, %arg10: memref<10112x128xf32, #tpu.memory_space<vmem_shared>>, %arg11: memref<!tpu.dma_semaphore, #tpu.memory_space<semaphore_mem>>) attributes {dimension_semantics = [#tpu.dimension_semantics<core_parallel>, #tpu.dimension_semantics<subcore_parallel>], iteration_bounds = array<i64: 2, 16>, scalar_prefetch = 0 : i64, scratch_operands = 5 : i64, tpu.core_type = #tpu.core_type<sc_vector_subcore>, window_params = [{transform_indices = #map}, {transform_indices = #map1}, {transform_indices = #map1}, {transform_indices = #map}, {transform_indices = #map2}]} {
    %mul3A = arith.constant 632 : i32
    %mul3A_0 = arith.muli %arg1, %mul3A : i32
    "tpu.region"() ({
      %run_scoped3A = tpu.sem_alloc : memref<!tpu.dma_semaphore, #tpu.memory_space<semaphore_mem>>
      %dma_start3A = arith.constant 0 : i32
      %dma_start3A_11 = tpu.memref_slice %arg10[%mul3A_0, %dma_start3A] : memref<10112x128xf32, #tpu.memory_space<vmem_shared>> -> memref<632x128xf32, #tpu.memory_space<vmem_shared>>
      %dma_start3A_12 = arith.constant 0 : i32
      %dma_start3A_13 = tpu.memref_slice %arg5[%mul3A_0, %dma_start3A_12] : memref<10112x128xf32, #tpu.memory_space<hbm>> -> memref<632x128xf32, #tpu.memory_space<hbm>>
      tpu.enqueue_dma source(%dma_start3A_13 : memref<632x128xf32, #tpu.memory_space<hbm>>) target(%dma_start3A_11 : memref<632x128xf32, #tpu.memory_space<vmem_shared>>) target_semaphore(%run_scoped3A : memref<!tpu.dma_semaphore, #tpu.memory_space<semaphore_mem>>)
      %dma_wait3A = arith.constant 0 : i32
      %dma_wait3A_14 = tpu.memref_slice %arg10[%mul3A_0, %dma_wait3A] : memref<10112x128xf32, #tpu.memory_space<vmem_shared>> -> memref<632x128xf32, #tpu.memory_space<vmem_shared>>
      %dma_wait3A_15 = arith.constant 0 : i32
      %dma_wait3A_16 = tpu.memref_slice %arg5[%mul3A_0, %dma_wait3A_15] : memref<10112x128xf32, #tpu.memory_space<hbm>> -> memref<632x128xf32, #tpu.memory_space<hbm>>
      tpu.wait_dma2 semaphore(%run_scoped3A : memref<!tpu.dma_semaphore, #tpu.memory_space<semaphore_mem>>) src(%dma_wait3A_16 : memref<632x128xf32, #tpu.memory_space<hbm>>) dst(%dma_wait3A_14 : memref<632x128xf32, #tpu.memory_space<vmem_shared>>)
      tpu.yield
    }) : () -> ()
    %barrier3A = arith.constant 0 : index
    tpu.barrier barrier_id(%barrier3A)
    %mul3A_1 = arith.constant 16 : i32
    %mul3A_2 = arith.muli %arg0, %mul3A_1 : i32
    %add3A = arith.addi %mul3A_2, %arg1 : i32
    %mul3A_3 = arith.constant 10000 : i32
    %mul3A_4 = arith.muli %add3A, %mul3A_3 : i32
    %scan3A = arith.constant 0 : i32
    %scan3A_5 = arith.constant 0 : i32
    %scan3A_6 = arith.constant 125 : i32
    %scan3A_7 = arith.addi %scan3A_5, %scan3A_6 : i32
    %scan3A_8 = arith.constant 1 : i32
    scf.for %scan3A_11 = %scan3A_5 to %scan3A_7 step %scan3A_8  : i32 {
      %mul3A_12 = arith.constant 80 : i32
      %mul3A_13 = arith.muli %scan3A_11, %mul3A_12 : i32
      %add3A_14 = arith.addi %mul3A_4, %mul3A_13 : i32
      "tpu.region"() ({
        %run_scoped3A = tpu.sem_alloc : memref<!tpu.dma_semaphore, #tpu.memory_space<semaphore_mem>>
        %dma_start3A_19 = tpu.memref_slice %arg3[%add3A_14] : memref<320000xi32, #tpu.memory_space<hbm>> -> memref<80xi32, #tpu.memory_space<hbm>>
        %dma_start3A_20 = tpu.memref_slice %arg3[%add3A_14] : memref<320000xi32, #tpu.memory_space<hbm>> -> memref<80xi32, #tpu.memory_space<hbm>>
        tpu.enqueue_dma source(%dma_start3A_20 : memref<80xi32, #tpu.memory_space<hbm>>) target(%arg7 : memref<80xi32, #tpu.memory_space<vmem>>) target_semaphore(%run_scoped3A : memref<!tpu.dma_semaphore, #tpu.memory_space<semaphore_mem>>)
        %dma_wait3A_21 = tpu.memref_slice %arg3[%add3A_14] : memref<320000xi32, #tpu.memory_space<hbm>> -> memref<80xi32, #tpu.memory_space<hbm>>
        %dma_wait3A_22 = tpu.memref_slice %arg3[%add3A_14] : memref<320000xi32, #tpu.memory_space<hbm>> -> memref<80xi32, #tpu.memory_space<hbm>>
        tpu.wait_dma2 semaphore(%run_scoped3A : memref<!tpu.dma_semaphore, #tpu.memory_space<semaphore_mem>>) src(%dma_wait3A_22 : memref<80xi32, #tpu.memory_space<hbm>>) dst(%arg7 : memref<80xi32, #tpu.memory_space<vmem>>)
        tpu.yield
      }) : () -> ()
      "tpu.region"() ({
        %run_scoped3A = tpu.sem_alloc : memref<!tpu.dma_semaphore, #tpu.memory_space<semaphore_mem>>
        %dma_start3A_19 = tpu.memref_slice %arg4[%add3A_14] : memref<320000xi32, #tpu.memory_space<hbm>> -> memref<80xi32, #tpu.memory_space<hbm>>
        %dma_start3A_20 = tpu.memref_slice %arg4[%add3A_14] : memref<320000xi32, #tpu.memory_space<hbm>> -> memref<80xi32, #tpu.memory_space<hbm>>
        tpu.enqueue_dma source(%dma_start3A_20 : memref<80xi32, #tpu.memory_space<hbm>>) target(%arg8 : memref<80xi32, #tpu.memory_space<vmem>>) target_semaphore(%run_scoped3A : memref<!tpu.dma_semaphore, #tpu.memory_space<semaphore_mem>>)
        %dma_wait3A_21 = tpu.memref_slice %arg4[%add3A_14] : memref<320000xi32, #tpu.memory_space<hbm>> -> memref<80xi32, #tpu.memory_space<hbm>>
        %dma_wait3A_22 = tpu.memref_slice %arg4[%add3A_14] : memref<320000xi32, #tpu.memory_space<hbm>> -> memref<80xi32, #tpu.memory_space<hbm>>
        tpu.wait_dma2 semaphore(%run_scoped3A : memref<!tpu.dma_semaphore, #tpu.memory_space<semaphore_mem>>) src(%dma_wait3A_22 : memref<80xi32, #tpu.memory_space<hbm>>) dst(%arg8 : memref<80xi32, #tpu.memory_space<vmem>>)
        tpu.yield
      }) : () -> ()
      %dma_start3A = arith.constant 0 : i32
      %dma_start3A_15 = arith.constant 0 : i32
      %dma_start3A_16 = tpu.memref_slice %arg2[%dma_start3A, %dma_start3A_15] : memref<10000x128xf32, #tpu.memory_space<hbm>> -> memref<10000x128xf32, #tpu.memory_space<hbm>>
      tpu.enqueue_indirect_dma source(%dma_start3A_16 : memref<10000x128xf32, #tpu.memory_space<hbm>>) target(%arg9 : memref<80x128xf32, #tpu.memory_space<vmem>>) offsets(%arg7 : memref<80xi32, #tpu.memory_space<vmem>>) semaphore(%arg11 : memref<!tpu.dma_semaphore, #tpu.memory_space<semaphore_mem>>)
      %dma_wait3A = arith.constant 0 : i32
      %dma_wait3A_17 = arith.constant 0 : i32
      %dma_wait3A_18 = tpu.memref_slice %arg2[%dma_wait3A, %dma_wait3A_17] : memref<10000x128xf32, #tpu.memory_space<hbm>> -> memref<10000x128xf32, #tpu.memory_space<hbm>>
      tpu.wait_indirect_dma semaphore(%arg11 : memref<!tpu.dma_semaphore, #tpu.memory_space<semaphore_mem>>) src(%dma_wait3A_18 : memref<10000x128xf32, #tpu.memory_space<hbm>>) dst(%arg9 : memref<80x128xf32, #tpu.memory_space<vmem>>)
      "tpu.region"() ({
        %run_scoped3A = tpu.sem_alloc : memref<!tpu.dma_semaphore, #tpu.memory_space<semaphore_mem>>
        %dma_start3A_19 = arith.constant 0 : i32
        %dma_start3A_20 = arith.constant 0 : i32
        %dma_start3A_21 = tpu.memref_slice %arg10[%dma_start3A_19, %dma_start3A_20] : memref<10112x128xf32, #tpu.memory_space<vmem_shared>> -> memref<10112x128xf32, #tpu.memory_space<vmem_shared>>
        tpu.enqueue_indirect_dma source(%arg9 : memref<80x128xf32, #tpu.memory_space<vmem>>) target(%dma_start3A_21 : memref<10112x128xf32, #tpu.memory_space<vmem_shared>>) offsets(%arg8 : memref<80xi32, #tpu.memory_space<vmem>>) semaphore(%run_scoped3A : memref<!tpu.dma_semaphore, #tpu.memory_space<semaphore_mem>>) {add = true}
        %dma_wait3A_22 = arith.constant 0 : i32
        %dma_wait3A_23 = arith.constant 0 : i32
        %dma_wait3A_24 = tpu.memref_slice %arg10[%dma_wait3A_22, %dma_wait3A_23] : memref<10112x128xf32, #tpu.memory_space<vmem_shared>> -> memref<10112x128xf32, #tpu.memory_space<vmem_shared>>
        tpu.wait_indirect_dma semaphore(%run_scoped3A : memref<!tpu.dma_semaphore, #tpu.memory_space<semaphore_mem>>) src(%arg9 : memref<80x128xf32, #tpu.memory_space<vmem>>) dst(%dma_wait3A_24 : memref<10112x128xf32, #tpu.memory_space<vmem_shared>>)
        tpu.yield
      }) : () -> ()
    }
    %scan3A_9 = arith.constant 125 : i32
    %barrier3A_10 = arith.constant 0 : index
    tpu.barrier barrier_id(%barrier3A_10)
    "tpu.region"() ({
      %run_scoped3A = tpu.sem_alloc : memref<!tpu.dma_semaphore, #tpu.memory_space<semaphore_mem>>
      %dma_start3A = arith.constant 0 : i32
      %dma_start3A_11 = tpu.memref_slice %arg6[%arg0, %mul3A_0, %dma_start3A] : memref<2x10112x128xf32, #tpu.memory_space<hbm>> -> memref<1x632x128xf32, #tpu.memory_space<hbm>>
      %dma_start3A_12 = tpu.memref_squeeze %dma_start3A_11 : memref<1x632x128xf32, #tpu.memory_space<hbm>> -> memref<632x128xf32, #tpu.memory_space<hbm>>
      %dma_start3A_13 = arith.constant 0 : i32
      %dma_start3A_14 = tpu.memref_slice %arg10[%mul3A_0, %dma_start3A_13] : memref<10112x128xf32, #tpu.memory_space<vmem_shared>> -> memref<632x128xf32, #tpu.memory_space<vmem_shared>>
      tpu.enqueue_dma source(%dma_start3A_14 : memref<632x128xf32, #tpu.memory_space<vmem_shared>>) target(%dma_start3A_12 : memref<632x128xf32, #tpu.memory_space<hbm>>) target_semaphore(%run_scoped3A : memref<!tpu.dma_semaphore, #tpu.memory_space<semaphore_mem>>)
      %dma_wait3A = arith.constant 0 : i32
      %dma_wait3A_15 = tpu.memref_slice %arg6[%arg0, %mul3A_0, %dma_wait3A] : memref<2x10112x128xf32, #tpu.memory_space<hbm>> -> memref<1x632x128xf32, #tpu.memory_space<hbm>>
      %dma_wait3A_16 = tpu.memref_squeeze %dma_wait3A_15 : memref<1x632x128xf32, #tpu.memory_space<hbm>> -> memref<632x128xf32, #tpu.memory_space<hbm>>
      %dma_wait3A_17 = arith.constant 0 : i32
      %dma_wait3A_18 = tpu.memref_slice %arg10[%mul3A_0, %dma_wait3A_17] : memref<10112x128xf32, #tpu.memory_space<vmem_shared>> -> memref<632x128xf32, #tpu.memory_space<vmem_shared>>
      tpu.wait_dma2 semaphore(%run_scoped3A : memref<!tpu.dma_semaphore, #tpu.memory_space<semaphore_mem>>) src(%dma_wait3A_18 : memref<632x128xf32, #tpu.memory_space<vmem_shared>>) dst(%dma_wait3A_16 : memref<632x128xf32, #tpu.memory_space<hbm>>)
      tpu.yield
    }) : () -> ()
    return
  }
}

#map = affine_map<(d0, d1) -> (0, 0)>
#map1 = affine_map<(d0, d1) -> (0)>
#map2 = affine_map<(d0, d1) -> (0, 0, 0)>
module attributes {stable_mosaic.version = 14 : i64} {
  func.func @agg_kernel(%arg0: i32, %arg1: i32, %arg2: memref<10000x128xf32, #tpu.memory_space<hbm>>, %arg3: memref<320000xi32, #tpu.memory_space<hbm>>, %arg4: memref<320000xi32, #tpu.memory_space<hbm>>, %arg5: memref<10112x128xf32, #tpu.memory_space<hbm>>, %arg6: memref<2x10112x128xf32, #tpu.memory_space<hbm>>, %arg7: memref<80xi32, #tpu.memory_space<vmem>>, %arg8: memref<80xi32, #tpu.memory_space<vmem>>, %arg9: memref<80x128xf32, #tpu.memory_space<vmem>>, %arg10: memref<10112x128xf32, #tpu.memory_space<vmem_shared>>, %arg11: memref<!tpu.dma_semaphore, #tpu.memory_space<semaphore_mem>>) attributes {dimension_semantics = [#tpu.dimension_semantics<core_parallel>, #tpu.dimension_semantics<subcore_parallel>], iteration_bounds = array<i64: 2, 16>, scalar_prefetch = 0 : i64, scratch_operands = 5 : i64, tpu.core_type = #tpu.core_type<sc_vector_subcore>, window_params = [{transform_indices = #map}, {transform_indices = #map1}, {transform_indices = #map1}, {transform_indices = #map}, {transform_indices = #map2}]} {
    %mul3A = arith.constant 632 : i32
    %mul3A_0 = arith.muli %arg1, %mul3A : i32
    "tpu.region"() ({
      %run_scoped3A = tpu.sem_alloc : memref<!tpu.dma_semaphore, #tpu.memory_space<semaphore_mem>>
      %dma_start3A = arith.constant 0 : i32
      %dma_start3A_11 = tpu.memref_slice %arg10[%mul3A_0, %dma_start3A] : memref<10112x128xf32, #tpu.memory_space<vmem_shared>> -> memref<632x128xf32, #tpu.memory_space<vmem_shared>>
      %dma_start3A_12 = arith.constant 0 : i32
      %dma_start3A_13 = tpu.memref_slice %arg5[%mul3A_0, %dma_start3A_12] : memref<10112x128xf32, #tpu.memory_space<hbm>> -> memref<632x128xf32, #tpu.memory_space<hbm>>
      tpu.enqueue_dma source(%dma_start3A_13 : memref<632x128xf32, #tpu.memory_space<hbm>>) target(%dma_start3A_11 : memref<632x128xf32, #tpu.memory_space<vmem_shared>>) target_semaphore(%run_scoped3A : memref<!tpu.dma_semaphore, #tpu.memory_space<semaphore_mem>>)
      %dma_wait3A = arith.constant 0 : i32
      %dma_wait3A_14 = tpu.memref_slice %arg10[%mul3A_0, %dma_wait3A] : memref<10112x128xf32, #tpu.memory_space<vmem_shared>> -> memref<632x128xf32, #tpu.memory_space<vmem_shared>>
      %dma_wait3A_15 = arith.constant 0 : i32
      %dma_wait3A_16 = tpu.memref_slice %arg5[%mul3A_0, %dma_wait3A_15] : memref<10112x128xf32, #tpu.memory_space<hbm>> -> memref<632x128xf32, #tpu.memory_space<hbm>>
      tpu.wait_dma2 semaphore(%run_scoped3A : memref<!tpu.dma_semaphore, #tpu.memory_space<semaphore_mem>>) src(%dma_wait3A_16 : memref<632x128xf32, #tpu.memory_space<hbm>>) dst(%dma_wait3A_14 : memref<632x128xf32, #tpu.memory_space<vmem_shared>>)
      tpu.yield
    }) : () -> ()
    %barrier3A = arith.constant 0 : index
    tpu.barrier barrier_id(%barrier3A)
    %mul3A_1 = arith.constant 16 : i32
    %mul3A_2 = arith.muli %arg0, %mul3A_1 : i32
    %add3A = arith.addi %mul3A_2, %arg1 : i32
    %mul3A_3 = arith.constant 10000 : i32
    %mul3A_4 = arith.muli %add3A, %mul3A_3 : i32
    %scan3A = arith.constant 0 : i32
    %scan3A_5 = arith.constant 0 : i32
    %scan3A_6 = arith.constant 125 : i32
    %scan3A_7 = arith.addi %scan3A_5, %scan3A_6 : i32
    %scan3A_8 = arith.constant 1 : i32
    scf.for %scan3A_11 = %scan3A_5 to %scan3A_7 step %scan3A_8  : i32 {
      %mul3A_12 = arith.constant 80 : i32
      %mul3A_13 = arith.muli %scan3A_11, %mul3A_12 : i32
      %add3A_14 = arith.addi %mul3A_4, %mul3A_13 : i32
      "tpu.region"() ({
        %run_scoped3A = tpu.sem_alloc : memref<!tpu.dma_semaphore, #tpu.memory_space<semaphore_mem>>
        %dma_start3A_19 = tpu.memref_slice %arg3[%add3A_14] : memref<320000xi32, #tpu.memory_space<hbm>> -> memref<80xi32, #tpu.memory_space<hbm>>
        %dma_start3A_20 = tpu.memref_slice %arg3[%add3A_14] : memref<320000xi32, #tpu.memory_space<hbm>> -> memref<80xi32, #tpu.memory_space<hbm>>
        tpu.enqueue_dma source(%dma_start3A_20 : memref<80xi32, #tpu.memory_space<hbm>>) target(%arg7 : memref<80xi32, #tpu.memory_space<vmem>>) target_semaphore(%run_scoped3A : memref<!tpu.dma_semaphore, #tpu.memory_space<semaphore_mem>>)
        %dma_wait3A_21 = tpu.memref_slice %arg3[%add3A_14] : memref<320000xi32, #tpu.memory_space<hbm>> -> memref<80xi32, #tpu.memory_space<hbm>>
        %dma_wait3A_22 = tpu.memref_slice %arg3[%add3A_14] : memref<320000xi32, #tpu.memory_space<hbm>> -> memref<80xi32, #tpu.memory_space<hbm>>
        tpu.wait_dma2 semaphore(%run_scoped3A : memref<!tpu.dma_semaphore, #tpu.memory_space<semaphore_mem>>) src(%dma_wait3A_22 : memref<80xi32, #tpu.memory_space<hbm>>) dst(%arg7 : memref<80xi32, #tpu.memory_space<vmem>>)
        tpu.yield
      }) : () -> ()
      "tpu.region"() ({
        %run_scoped3A = tpu.sem_alloc : memref<!tpu.dma_semaphore, #tpu.memory_space<semaphore_mem>>
        %dma_start3A_19 = tpu.memref_slice %arg4[%add3A_14] : memref<320000xi32, #tpu.memory_space<hbm>> -> memref<80xi32, #tpu.memory_space<hbm>>
        %dma_start3A_20 = tpu.memref_slice %arg4[%add3A_14] : memref<320000xi32, #tpu.memory_space<hbm>> -> memref<80xi32, #tpu.memory_space<hbm>>
        tpu.enqueue_dma source(%dma_start3A_20 : memref<80xi32, #tpu.memory_space<hbm>>) target(%arg8 : memref<80xi32, #tpu.memory_space<vmem>>) target_semaphore(%run_scoped3A : memref<!tpu.dma_semaphore, #tpu.memory_space<semaphore_mem>>)
        %dma_wait3A_21 = tpu.memref_slice %arg4[%add3A_14] : memref<320000xi32, #tpu.memory_space<hbm>> -> memref<80xi32, #tpu.memory_space<hbm>>
        %dma_wait3A_22 = tpu.memref_slice %arg4[%add3A_14] : memref<320000xi32, #tpu.memory_space<hbm>> -> memref<80xi32, #tpu.memory_space<hbm>>
        tpu.wait_dma2 semaphore(%run_scoped3A : memref<!tpu.dma_semaphore, #tpu.memory_space<semaphore_mem>>) src(%dma_wait3A_22 : memref<80xi32, #tpu.memory_space<hbm>>) dst(%arg8 : memref<80xi32, #tpu.memory_space<vmem>>)
        tpu.yield
      }) : () -> ()
      %dma_start3A = arith.constant 0 : i32
      %dma_start3A_15 = arith.constant 0 : i32
      %dma_start3A_16 = tpu.memref_slice %arg2[%dma_start3A, %dma_start3A_15] : memref<10000x128xf32, #tpu.memory_space<hbm>> -> memref<10000x128xf32, #tpu.memory_space<hbm>>
      tpu.enqueue_indirect_dma source(%dma_start3A_16 : memref<10000x128xf32, #tpu.memory_space<hbm>>) target(%arg9 : memref<80x128xf32, #tpu.memory_space<vmem>>) offsets(%arg7 : memref<80xi32, #tpu.memory_space<vmem>>) semaphore(%arg11 : memref<!tpu.dma_semaphore, #tpu.memory_space<semaphore_mem>>)
      %dma_wait3A = arith.constant 0 : i32
      %dma_wait3A_17 = arith.constant 0 : i32
      %dma_wait3A_18 = tpu.memref_slice %arg2[%dma_wait3A, %dma_wait3A_17] : memref<10000x128xf32, #tpu.memory_space<hbm>> -> memref<10000x128xf32, #tpu.memory_space<hbm>>
      tpu.wait_indirect_dma semaphore(%arg11 : memref<!tpu.dma_semaphore, #tpu.memory_space<semaphore_mem>>) src(%dma_wait3A_18 : memref<10000x128xf32, #tpu.memory_space<hbm>>) dst(%arg9 : memref<80x128xf32, #tpu.memory_space<vmem>>)
      "tpu.region"() ({
        %run_scoped3A = tpu.sem_alloc : memref<!tpu.dma_semaphore, #tpu.memory_space<semaphore_mem>>
        %dma_start3A_19 = arith.constant 0 : i32
        %dma_start3A_20 = arith.constant 0 : i32
        %dma_start3A_21 = tpu.memref_slice %arg10[%dma_start3A_19, %dma_start3A_20] : memref<10112x128xf32, #tpu.memory_space<vmem_shared>> -> memref<10112x128xf32, #tpu.memory_space<vmem_shared>>
        tpu.enqueue_indirect_dma source(%arg9 : memref<80x128xf32, #tpu.memory_space<vmem>>) target(%dma_start3A_21 : memref<10112x128xf32, #tpu.memory_space<vmem_shared>>) offsets(%arg8 : memref<80xi32, #tpu.memory_space<vmem>>) semaphore(%run_scoped3A : memref<!tpu.dma_semaphore, #tpu.memory_space<semaphore_mem>>) {add = true}
        %dma_wait3A_22 = arith.constant 0 : i32
        %dma_wait3A_23 = arith.constant 0 : i32
        %dma_wait3A_24 = tpu.memref_slice %arg10[%dma_wait3A_22, %dma_wait3A_23] : memref<10112x128xf32, #tpu.memory_space<vmem_shared>> -> memref<10112x128xf32, #tpu.memory_space<vmem_shared>>
        tpu.wait_indirect_dma semaphore(%run_scoped3A : memref<!tpu.dma_semaphore, #tpu.memory_space<semaphore_mem>>) src(%arg9 : memref<80x128xf32, #tpu.memory_space<vmem>>) dst(%dma_wait3A_24 : memref<10112x128xf32, #tpu.memory_space<vmem_shared>>)
        tpu.yield
      }) : () -> ()
    }
    %scan3A_9 = arith.constant 125 : i32
    %barrier3A_10 = arith.constant 0 : index
    tpu.barrier barrier_id(%barrier3A_10)
    "tpu.region"() ({
      %run_scoped3A = tpu.sem_alloc : memref<!tpu.dma_semaphore, #tpu.memory_space<semaphore_mem>>
      %dma_start3A = arith.constant 0 : i32
      %dma_start3A_11 = tpu.memref_slice %arg6[%arg0, %mul3A_0, %dma_start3A] : memref<2x10112x128xf32, #tpu.memory_space<hbm>> -> memref<1x632x128xf32, #tpu.memory_space<hbm>>
      %dma_start3A_12 = tpu.memref_squeeze %dma_start3A_11 : memref<1x632x128xf32, #tpu.memory_space<hbm>> -> memref<632x128xf32, #tpu.memory_space<hbm>>
      %dma_start3A_13 = arith.constant 0 : i32
      %dma_start3A_14 = tpu.memref_slice %arg10[%mul3A_0, %dma_start3A_13] : memref<10112x128xf32, #tpu.memory_space<vmem_shared>> -> memref<632x128xf32, #tpu.memory_space<vmem_shared>>
      tpu.enqueue_dma source(%dma_start3A_14 : memref<632x128xf32, #tpu.memory_space<vmem_shared>>) target(%dma_start3A_12 : memref<632x128xf32, #tpu.memory_space<hbm>>) target_semaphore(%run_scoped3A : memref<!tpu.dma_semaphore, #tpu.memory_space<semaphore_mem>>)
      %dma_wait3A = arith.constant 0 : i32
      %dma_wait3A_15 = tpu.memref_slice %arg6[%arg0, %mul3A_0, %dma_wait3A] : memref<2x10112x128xf32, #tpu.memory_space<hbm>> -> memref<1x632x128xf32, #tpu.memory_space<hbm>>
      %dma_wait3A_16 = tpu.memref_squeeze %dma_wait3A_15 : memref<1x632x128xf32, #tpu.memory_space<hbm>> -> memref<632x128xf32, #tpu.memory_space<hbm>>
      %dma_wait3A_17 = arith.constant 0 : i32
      %dma_wait3A_18 = tpu.memref_slice %arg10[%mul3A_0, %dma_wait3A_17] : memref<10112x128xf32, #tpu.memory_space<vmem_shared>> -> memref<632x128xf32, #tpu.memory_space<vmem_shared>>
      tpu.wait_dma2 semaphore(%run_scoped3A : memref<!tpu.dma_semaphore, #tpu.memory_space<semaphore_mem>>) src(%dma_wait3A_18 : memref<632x128xf32, #tpu.memory_space<vmem_shared>>) dst(%dma_wait3A_16 : memref<632x128xf32, #tpu.memory_space<hbm>>)
      tpu.yield
    }) : () -> ()
    return
  }
}

#map = affine_map<(d0, d1) -> (0)>
#map1 = affine_map<(d0, d1) -> (0, 0)>
#map2 = affine_map<(d0, d1) -> (0, 0, 0)>
module attributes {stable_mosaic.version = 14 : i64} {
  func.func @deg_kernel(%arg0: i32, %arg1: i32, %arg2: memref<320000xi32, #tpu.memory_space<hbm>>, %arg3: memref<10112x128xf32, #tpu.memory_space<hbm>>, %arg4: memref<80x128xf32, #tpu.memory_space<hbm>>, %arg5: memref<2x10112x128xf32, #tpu.memory_space<hbm>>, %arg6: memref<80xi32, #tpu.memory_space<vmem>>, %arg7: memref<80x128xf32, #tpu.memory_space<vmem>>, %arg8: memref<10112x128xf32, #tpu.memory_space<vmem_shared>>) attributes {dimension_semantics = [#tpu.dimension_semantics<core_parallel>, #tpu.dimension_semantics<subcore_parallel>], iteration_bounds = array<i64: 2, 16>, scalar_prefetch = 0 : i64, scratch_operands = 3 : i64, tpu.core_type = #tpu.core_type<sc_vector_subcore>, window_params = [{transform_indices = #map}, {transform_indices = #map1}, {transform_indices = #map1}, {transform_indices = #map2}]} {
    %mul3A = arith.constant 632 : i32
    %mul3A_0 = arith.muli %arg1, %mul3A : i32
    "tpu.region"() ({
      %run_scoped3A = tpu.sem_alloc : memref<!tpu.dma_semaphore, #tpu.memory_space<semaphore_mem>>
      %dma_start3A = arith.constant 0 : i32
      %dma_start3A_11 = tpu.memref_slice %arg8[%mul3A_0, %dma_start3A] : memref<10112x128xf32, #tpu.memory_space<vmem_shared>> -> memref<632x128xf32, #tpu.memory_space<vmem_shared>>
      %dma_start3A_12 = arith.constant 0 : i32
      %dma_start3A_13 = tpu.memref_slice %arg3[%mul3A_0, %dma_start3A_12] : memref<10112x128xf32, #tpu.memory_space<hbm>> -> memref<632x128xf32, #tpu.memory_space<hbm>>
      tpu.enqueue_dma source(%dma_start3A_13 : memref<632x128xf32, #tpu.memory_space<hbm>>) target(%dma_start3A_11 : memref<632x128xf32, #tpu.memory_space<vmem_shared>>) target_semaphore(%run_scoped3A : memref<!tpu.dma_semaphore, #tpu.memory_space<semaphore_mem>>)
      %dma_wait3A = arith.constant 0 : i32
      %dma_wait3A_14 = tpu.memref_slice %arg8[%mul3A_0, %dma_wait3A] : memref<10112x128xf32, #tpu.memory_space<vmem_shared>> -> memref<632x128xf32, #tpu.memory_space<vmem_shared>>
      %dma_wait3A_15 = arith.constant 0 : i32
      %dma_wait3A_16 = tpu.memref_slice %arg3[%mul3A_0, %dma_wait3A_15] : memref<10112x128xf32, #tpu.memory_space<hbm>> -> memref<632x128xf32, #tpu.memory_space<hbm>>
      tpu.wait_dma2 semaphore(%run_scoped3A : memref<!tpu.dma_semaphore, #tpu.memory_space<semaphore_mem>>) src(%dma_wait3A_16 : memref<632x128xf32, #tpu.memory_space<hbm>>) dst(%dma_wait3A_14 : memref<632x128xf32, #tpu.memory_space<vmem_shared>>)
      tpu.yield
    }) : () -> ()
    "tpu.region"() ({
      %run_scoped3A = tpu.sem_alloc : memref<!tpu.dma_semaphore, #tpu.memory_space<semaphore_mem>>
      tpu.enqueue_dma source(%arg4 : memref<80x128xf32, #tpu.memory_space<hbm>>) target(%arg7 : memref<80x128xf32, #tpu.memory_space<vmem>>) target_semaphore(%run_scoped3A : memref<!tpu.dma_semaphore, #tpu.memory_space<semaphore_mem>>)
      tpu.wait_dma2 semaphore(%run_scoped3A : memref<!tpu.dma_semaphore, #tpu.memory_space<semaphore_mem>>) src(%arg4 : memref<80x128xf32, #tpu.memory_space<hbm>>) dst(%arg7 : memref<80x128xf32, #tpu.memory_space<vmem>>)
      tpu.yield
    }) : () -> ()
    %barrier3A = arith.constant 0 : index
    tpu.barrier barrier_id(%barrier3A)
    %mul3A_1 = arith.constant 16 : i32
    %mul3A_2 = arith.muli %arg0, %mul3A_1 : i32
    %add3A = arith.addi %mul3A_2, %arg1 : i32
    %mul3A_3 = arith.constant 10000 : i32
    %mul3A_4 = arith.muli %add3A, %mul3A_3 : i32
    %scan3A = arith.constant 0 : i32
    %scan3A_5 = arith.constant 0 : i32
    %scan3A_6 = arith.constant 125 : i32
    %scan3A_7 = arith.addi %scan3A_5, %scan3A_6 : i32
    %scan3A_8 = arith.constant 1 : i32
    scf.for %scan3A_11 = %scan3A_5 to %scan3A_7 step %scan3A_8  : i32 {
      %mul3A_12 = arith.constant 80 : i32
      %mul3A_13 = arith.muli %scan3A_11, %mul3A_12 : i32
      %add3A_14 = arith.addi %mul3A_4, %mul3A_13 : i32
      "tpu.region"() ({
        %run_scoped3A = tpu.sem_alloc : memref<!tpu.dma_semaphore, #tpu.memory_space<semaphore_mem>>
        %dma_start3A = tpu.memref_slice %arg2[%add3A_14] : memref<320000xi32, #tpu.memory_space<hbm>> -> memref<80xi32, #tpu.memory_space<hbm>>
        %dma_start3A_15 = tpu.memref_slice %arg2[%add3A_14] : memref<320000xi32, #tpu.memory_space<hbm>> -> memref<80xi32, #tpu.memory_space<hbm>>
        tpu.enqueue_dma source(%dma_start3A_15 : memref<80xi32, #tpu.memory_space<hbm>>) target(%arg6 : memref<80xi32, #tpu.memory_space<vmem>>) target_semaphore(%run_scoped3A : memref<!tpu.dma_semaphore, #tpu.memory_space<semaphore_mem>>)
        %dma_wait3A = tpu.memref_slice %arg2[%add3A_14] : memref<320000xi32, #tpu.memory_space<hbm>> -> memref<80xi32, #tpu.memory_space<hbm>>
        %dma_wait3A_16 = tpu.memref_slice %arg2[%add3A_14] : memref<320000xi32, #tpu.memory_space<hbm>> -> memref<80xi32, #tpu.memory_space<hbm>>
        tpu.wait_dma2 semaphore(%run_scoped3A : memref<!tpu.dma_semaphore, #tpu.memory_space<semaphore_mem>>) src(%dma_wait3A_16 : memref<80xi32, #tpu.memory_space<hbm>>) dst(%arg6 : memref<80xi32, #tpu.memory_space<vmem>>)
        tpu.yield
      }) : () -> ()
      "tpu.region"() ({
        %run_scoped3A = tpu.sem_alloc : memref<!tpu.dma_semaphore, #tpu.memory_space<semaphore_mem>>
        %dma_start3A = arith.constant 0 : i32
        %dma_start3A_15 = arith.constant 0 : i32
        %dma_start3A_16 = tpu.memref_slice %arg8[%dma_start3A, %dma_start3A_15] : memref<10112x128xf32, #tpu.memory_space<vmem_shared>> -> memref<10112x128xf32, #tpu.memory_space<vmem_shared>>
        tpu.enqueue_indirect_dma source(%arg7 : memref<80x128xf32, #tpu.memory_space<vmem>>) target(%dma_start3A_16 : memref<10112x128xf32, #tpu.memory_space<vmem_shared>>) offsets(%arg6 : memref<80xi32, #tpu.memory_space<vmem>>) semaphore(%run_scoped3A : memref<!tpu.dma_semaphore, #tpu.memory_space<semaphore_mem>>) {add = true}
        %dma_wait3A = arith.constant 0 : i32
        %dma_wait3A_17 = arith.constant 0 : i32
        %dma_wait3A_18 = tpu.memref_slice %arg8[%dma_wait3A, %dma_wait3A_17] : memref<10112x128xf32, #tpu.memory_space<vmem_shared>> -> memref<10112x128xf32, #tpu.memory_space<vmem_shared>>
        tpu.wait_indirect_dma semaphore(%run_scoped3A : memref<!tpu.dma_semaphore, #tpu.memory_space<semaphore_mem>>) src(%arg7 : memref<80x128xf32, #tpu.memory_space<vmem>>) dst(%dma_wait3A_18 : memref<10112x128xf32, #tpu.memory_space<vmem_shared>>)
        tpu.yield
      }) : () -> ()
    }
    %scan3A_9 = arith.constant 125 : i32
    %barrier3A_10 = arith.constant 0 : index
    tpu.barrier barrier_id(%barrier3A_10)
    "tpu.region"() ({
      %run_scoped3A = tpu.sem_alloc : memref<!tpu.dma_semaphore, #tpu.memory_space<semaphore_mem>>
      %dma_start3A = arith.constant 0 : i32
      %dma_start3A_11 = tpu.memref_slice %arg5[%arg0, %mul3A_0, %dma_start3A] : memref<2x10112x128xf32, #tpu.memory_space<hbm>> -> memref<1x632x128xf32, #tpu.memory_space<hbm>>
      %dma_start3A_12 = tpu.memref_squeeze %dma_start3A_11 : memref<1x632x128xf32, #tpu.memory_space<hbm>> -> memref<632x128xf32, #tpu.memory_space<hbm>>
      %dma_start3A_13 = arith.constant 0 : i32
      %dma_start3A_14 = tpu.memref_slice %arg8[%mul3A_0, %dma_start3A_13] : memref<10112x128xf32, #tpu.memory_space<vmem_shared>> -> memref<632x128xf32, #tpu.memory_space<vmem_shared>>
      tpu.enqueue_dma source(%dma_start3A_14 : memref<632x128xf32, #tpu.memory_space<vmem_shared>>) target(%dma_start3A_12 : memref<632x128xf32, #tpu.memory_space<hbm>>) target_semaphore(%run_scoped3A : memref<!tpu.dma_semaphore, #tpu.memory_space<semaphore_mem>>)
      %dma_wait3A = arith.constant 0 : i32
      %dma_wait3A_15 = tpu.memref_slice %arg5[%arg0, %mul3A_0, %dma_wait3A] : memref<2x10112x128xf32, #tpu.memory_space<hbm>> -> memref<1x632x128xf32, #tpu.memory_space<hbm>>
      %dma_wait3A_16 = tpu.memref_squeeze %dma_wait3A_15 : memref<1x632x128xf32, #tpu.memory_space<hbm>> -> memref<632x128xf32, #tpu.memory_space<hbm>>
      %dma_wait3A_17 = arith.constant 0 : i32
      %dma_wait3A_18 = tpu.memref_slice %arg8[%mul3A_0, %dma_wait3A_17] : memref<10112x128xf32, #tpu.memory_space<vmem_shared>> -> memref<632x128xf32, #tpu.memory_space<vmem_shared>>
      tpu.wait_dma2 semaphore(%run_scoped3A : memref<!tpu.dma_semaphore, #tpu.memory_space<semaphore_mem>>) src(%dma_wait3A_18 : memref<632x128xf32, #tpu.memory_space<vmem_shared>>) dst(%dma_wait3A_16 : memref<632x128xf32, #tpu.memory_space<hbm>>)
      tpu.yield
    }) : () -> ()
    return
  }
}

#map = affine_map<(d0, d1) -> (0, 0)>
#map1 = affine_map<(d0, d1) -> (0)>
#map2 = affine_map<(d0, d1) -> (0, 0, 0)>
module attributes {stable_mosaic.version = 14 : i64} {
  func.func @agg_kernel(%arg0: i32, %arg1: i32, %arg2: memref<10000x128xf32, #tpu.memory_space<hbm>>, %arg3: memref<320000xi32, #tpu.memory_space<hbm>>, %arg4: memref<320000xi32, #tpu.memory_space<hbm>>, %arg5: memref<10112x128xf32, #tpu.memory_space<hbm>>, %arg6: memref<2x10112x128xf32, #tpu.memory_space<hbm>>, %arg7: memref<80xi32, #tpu.memory_space<vmem>>, %arg8: memref<80xi32, #tpu.memory_space<vmem>>, %arg9: memref<80x128xf32, #tpu.memory_space<vmem>>, %arg10: memref<10112x128xf32, #tpu.memory_space<vmem_shared>>, %arg11: memref<!tpu.dma_semaphore, #tpu.memory_space<semaphore_mem>>) attributes {dimension_semantics = [#tpu.dimension_semantics<core_parallel>, #tpu.dimension_semantics<subcore_parallel>], iteration_bounds = array<i64: 2, 16>, scalar_prefetch = 0 : i64, scratch_operands = 5 : i64, tpu.core_type = #tpu.core_type<sc_vector_subcore>, window_params = [{transform_indices = #map}, {transform_indices = #map1}, {transform_indices = #map1}, {transform_indices = #map}, {transform_indices = #map2}]} {
    %mul3A = arith.constant 632 : i32
    %mul3A_0 = arith.muli %arg1, %mul3A : i32
    "tpu.region"() ({
      %run_scoped3A = tpu.sem_alloc : memref<!tpu.dma_semaphore, #tpu.memory_space<semaphore_mem>>
      %dma_start3A = arith.constant 0 : i32
      %dma_start3A_11 = tpu.memref_slice %arg10[%mul3A_0, %dma_start3A] : memref<10112x128xf32, #tpu.memory_space<vmem_shared>> -> memref<632x128xf32, #tpu.memory_space<vmem_shared>>
      %dma_start3A_12 = arith.constant 0 : i32
      %dma_start3A_13 = tpu.memref_slice %arg5[%mul3A_0, %dma_start3A_12] : memref<10112x128xf32, #tpu.memory_space<hbm>> -> memref<632x128xf32, #tpu.memory_space<hbm>>
      tpu.enqueue_dma source(%dma_start3A_13 : memref<632x128xf32, #tpu.memory_space<hbm>>) target(%dma_start3A_11 : memref<632x128xf32, #tpu.memory_space<vmem_shared>>) target_semaphore(%run_scoped3A : memref<!tpu.dma_semaphore, #tpu.memory_space<semaphore_mem>>)
      %dma_wait3A = arith.constant 0 : i32
      %dma_wait3A_14 = tpu.memref_slice %arg10[%mul3A_0, %dma_wait3A] : memref<10112x128xf32, #tpu.memory_space<vmem_shared>> -> memref<632x128xf32, #tpu.memory_space<vmem_shared>>
      %dma_wait3A_15 = arith.constant 0 : i32
      %dma_wait3A_16 = tpu.memref_slice %arg5[%mul3A_0, %dma_wait3A_15] : memref<10112x128xf32, #tpu.memory_space<hbm>> -> memref<632x128xf32, #tpu.memory_space<hbm>>
      tpu.wait_dma2 semaphore(%run_scoped3A : memref<!tpu.dma_semaphore, #tpu.memory_space<semaphore_mem>>) src(%dma_wait3A_16 : memref<632x128xf32, #tpu.memory_space<hbm>>) dst(%dma_wait3A_14 : memref<632x128xf32, #tpu.memory_space<vmem_shared>>)
      tpu.yield
    }) : () -> ()
    %barrier3A = arith.constant 0 : index
    tpu.barrier barrier_id(%barrier3A)
    %mul3A_1 = arith.constant 16 : i32
    %mul3A_2 = arith.muli %arg0, %mul3A_1 : i32
    %add3A = arith.addi %mul3A_2, %arg1 : i32
    %mul3A_3 = arith.constant 10000 : i32
    %mul3A_4 = arith.muli %add3A, %mul3A_3 : i32
    %scan3A = arith.constant 0 : i32
    %scan3A_5 = arith.constant 0 : i32
    %scan3A_6 = arith.constant 125 : i32
    %scan3A_7 = arith.addi %scan3A_5, %scan3A_6 : i32
    %scan3A_8 = arith.constant 1 : i32
    scf.for %scan3A_11 = %scan3A_5 to %scan3A_7 step %scan3A_8  : i32 {
      %mul3A_12 = arith.constant 80 : i32
      %mul3A_13 = arith.muli %scan3A_11, %mul3A_12 : i32
      %add3A_14 = arith.addi %mul3A_4, %mul3A_13 : i32
      "tpu.region"() ({
        %run_scoped3A = tpu.sem_alloc : memref<!tpu.dma_semaphore, #tpu.memory_space<semaphore_mem>>
        %dma_start3A_19 = tpu.memref_slice %arg3[%add3A_14] : memref<320000xi32, #tpu.memory_space<hbm>> -> memref<80xi32, #tpu.memory_space<hbm>>
        %dma_start3A_20 = tpu.memref_slice %arg3[%add3A_14] : memref<320000xi32, #tpu.memory_space<hbm>> -> memref<80xi32, #tpu.memory_space<hbm>>
        tpu.enqueue_dma source(%dma_start3A_20 : memref<80xi32, #tpu.memory_space<hbm>>) target(%arg7 : memref<80xi32, #tpu.memory_space<vmem>>) target_semaphore(%run_scoped3A : memref<!tpu.dma_semaphore, #tpu.memory_space<semaphore_mem>>)
        %dma_wait3A_21 = tpu.memref_slice %arg3[%add3A_14] : memref<320000xi32, #tpu.memory_space<hbm>> -> memref<80xi32, #tpu.memory_space<hbm>>
        %dma_wait3A_22 = tpu.memref_slice %arg3[%add3A_14] : memref<320000xi32, #tpu.memory_space<hbm>> -> memref<80xi32, #tpu.memory_space<hbm>>
        tpu.wait_dma2 semaphore(%run_scoped3A : memref<!tpu.dma_semaphore, #tpu.memory_space<semaphore_mem>>) src(%dma_wait3A_22 : memref<80xi32, #tpu.memory_space<hbm>>) dst(%arg7 : memref<80xi32, #tpu.memory_space<vmem>>)
        tpu.yield
      }) : () -> ()
      "tpu.region"() ({
        %run_scoped3A = tpu.sem_alloc : memref<!tpu.dma_semaphore, #tpu.memory_space<semaphore_mem>>
        %dma_start3A_19 = tpu.memref_slice %arg4[%add3A_14] : memref<320000xi32, #tpu.memory_space<hbm>> -> memref<80xi32, #tpu.memory_space<hbm>>
        %dma_start3A_20 = tpu.memref_slice %arg4[%add3A_14] : memref<320000xi32, #tpu.memory_space<hbm>> -> memref<80xi32, #tpu.memory_space<hbm>>
        tpu.enqueue_dma source(%dma_start3A_20 : memref<80xi32, #tpu.memory_space<hbm>>) target(%arg8 : memref<80xi32, #tpu.memory_space<vmem>>) target_semaphore(%run_scoped3A : memref<!tpu.dma_semaphore, #tpu.memory_space<semaphore_mem>>)
        %dma_wait3A_21 = tpu.memref_slice %arg4[%add3A_14] : memref<320000xi32, #tpu.memory_space<hbm>> -> memref<80xi32, #tpu.memory_space<hbm>>
        %dma_wait3A_22 = tpu.memref_slice %arg4[%add3A_14] : memref<320000xi32, #tpu.memory_space<hbm>> -> memref<80xi32, #tpu.memory_space<hbm>>
        tpu.wait_dma2 semaphore(%run_scoped3A : memref<!tpu.dma_semaphore, #tpu.memory_space<semaphore_mem>>) src(%dma_wait3A_22 : memref<80xi32, #tpu.memory_space<hbm>>) dst(%arg8 : memref<80xi32, #tpu.memory_space<vmem>>)
        tpu.yield
      }) : () -> ()
      %dma_start3A = arith.constant 0 : i32
      %dma_start3A_15 = arith.constant 0 : i32
      %dma_start3A_16 = tpu.memref_slice %arg2[%dma_start3A, %dma_start3A_15] : memref<10000x128xf32, #tpu.memory_space<hbm>> -> memref<10000x128xf32, #tpu.memory_space<hbm>>
      tpu.enqueue_indirect_dma source(%dma_start3A_16 : memref<10000x128xf32, #tpu.memory_space<hbm>>) target(%arg9 : memref<80x128xf32, #tpu.memory_space<vmem>>) offsets(%arg7 : memref<80xi32, #tpu.memory_space<vmem>>) semaphore(%arg11 : memref<!tpu.dma_semaphore, #tpu.memory_space<semaphore_mem>>)
      %dma_wait3A = arith.constant 0 : i32
      %dma_wait3A_17 = arith.constant 0 : i32
      %dma_wait3A_18 = tpu.memref_slice %arg2[%dma_wait3A, %dma_wait3A_17] : memref<10000x128xf32, #tpu.memory_space<hbm>> -> memref<10000x128xf32, #tpu.memory_space<hbm>>
      tpu.wait_indirect_dma semaphore(%arg11 : memref<!tpu.dma_semaphore, #tpu.memory_space<semaphore_mem>>) src(%dma_wait3A_18 : memref<10000x128xf32, #tpu.memory_space<hbm>>) dst(%arg9 : memref<80x128xf32, #tpu.memory_space<vmem>>)
      "tpu.region"() ({
        %run_scoped3A = tpu.sem_alloc : memref<!tpu.dma_semaphore, #tpu.memory_space<semaphore_mem>>
        %dma_start3A_19 = arith.constant 0 : i32
        %dma_start3A_20 = arith.constant 0 : i32
        %dma_start3A_21 = tpu.memref_slice %arg10[%dma_start3A_19, %dma_start3A_20] : memref<10112x128xf32, #tpu.memory_space<vmem_shared>> -> memref<10112x128xf32, #tpu.memory_space<vmem_shared>>
        tpu.enqueue_indirect_dma source(%arg9 : memref<80x128xf32, #tpu.memory_space<vmem>>) target(%dma_start3A_21 : memref<10112x128xf32, #tpu.memory_space<vmem_shared>>) offsets(%arg8 : memref<80xi32, #tpu.memory_space<vmem>>) semaphore(%run_scoped3A : memref<!tpu.dma_semaphore, #tpu.memory_space<semaphore_mem>>) {add = true}
        %dma_wait3A_22 = arith.constant 0 : i32
        %dma_wait3A_23 = arith.constant 0 : i32
        %dma_wait3A_24 = tpu.memref_slice %arg10[%dma_wait3A_22, %dma_wait3A_23] : memref<10112x128xf32, #tpu.memory_space<vmem_shared>> -> memref<10112x128xf32, #tpu.memory_space<vmem_shared>>
        tpu.wait_indirect_dma semaphore(%run_scoped3A : memref<!tpu.dma_semaphore, #tpu.memory_space<semaphore_mem>>) src(%arg9 : memref<80x128xf32, #tpu.memory_space<vmem>>) dst(%dma_wait3A_24 : memref<10112x128xf32, #tpu.memory_space<vmem_shared>>)
        tpu.yield
      }) : () -> ()
    }
    %scan3A_9 = arith.constant 125 : i32
    %barrier3A_10 = arith.constant 0 : index
    tpu.barrier barrier_id(%barrier3A_10)
    "tpu.region"() ({
      %run_scoped3A = tpu.sem_alloc : memref<!tpu.dma_semaphore, #tpu.memory_space<semaphore_mem>>
      %dma_start3A = arith.constant 0 : i32
      %dma_start3A_11 = tpu.memref_slice %arg6[%arg0, %mul3A_0, %dma_start3A] : memref<2x10112x128xf32, #tpu.memory_space<hbm>> -> memref<1x632x128xf32, #tpu.memory_space<hbm>>
      %dma_start3A_12 = tpu.memref_squeeze %dma_start3A_11 : memref<1x632x128xf32, #tpu.memory_space<hbm>> -> memref<632x128xf32, #tpu.memory_space<hbm>>
      %dma_start3A_13 = arith.constant 0 : i32
      %dma_start3A_14 = tpu.memref_slice %arg10[%mul3A_0, %dma_start3A_13] : memref<10112x128xf32, #tpu.memory_space<vmem_shared>> -> memref<632x128xf32, #tpu.memory_space<vmem_shared>>
      tpu.enqueue_dma source(%dma_start3A_14 : memref<632x128xf32, #tpu.memory_space<vmem_shared>>) target(%dma_start3A_12 : memref<632x128xf32, #tpu.memory_space<hbm>>) target_semaphore(%run_scoped3A : memref<!tpu.dma_semaphore, #tpu.memory_space<semaphore_mem>>)
      %dma_wait3A = arith.constant 0 : i32
      %dma_wait3A_15 = tpu.memref_slice %arg6[%arg0, %mul3A_0, %dma_wait3A] : memref<2x10112x128xf32, #tpu.memory_space<hbm>> -> memref<1x632x128xf32, #tpu.memory_space<hbm>>
      %dma_wait3A_16 = tpu.memref_squeeze %dma_wait3A_15 : memref<1x632x128xf32, #tpu.memory_space<hbm>> -> memref<632x128xf32, #tpu.memory_space<hbm>>
      %dma_wait3A_17 = arith.constant 0 : i32
      %dma_wait3A_18 = tpu.memref_slice %arg10[%mul3A_0, %dma_wait3A_17] : memref<10112x128xf32, #tpu.memory_space<vmem_shared>> -> memref<632x128xf32, #tpu.memory_space<vmem_shared>>
      tpu.wait_dma2 semaphore(%run_scoped3A : memref<!tpu.dma_semaphore, #tpu.memory_space<semaphore_mem>>) src(%dma_wait3A_18 : memref<632x128xf32, #tpu.memory_space<vmem_shared>>) dst(%dma_wait3A_16 : memref<632x128xf32, #tpu.memory_space<hbm>>)
      tpu.yield
    }) : () -> ()
    return
  }
}

module attributes {stable_mosaic.version = 14 : i64} {
  func.func @body(%arg0: i32, %arg1: memref<400x128xf32, #tpu.memory_space<vmem>>, %arg2: memref<128x128xf32, #tpu.memory_space<vmem>>, %arg3: memref<2x400x128xf32, #tpu.memory_space<vmem>>, %arg4: memref<400x128xf32, #tpu.memory_space<vmem>>, %arg5: memref<400x1xf32, #tpu.memory_space<vmem>>) attributes {dimension_semantics = [#tpu.dimension_semantics<arbitrary>], iteration_bounds = array<i64: 25>, scalar_prefetch = 0 : i64, scratch_operands = 0 : i64, tpu.core_type = #tpu.core_type<tc>, window_params = [{transform_indices = @transform_0, window_bounds = array<i64: 400, 128>}, {pipeline_mode = #tpu.pipeline_mode<synchronous>, transform_indices = @transform_1, window_bounds = array<i64: 128, 128>}, {transform_indices = @transform_2, window_bounds = array<i64: 2, 400, 128>}, {transform_indices = @transform_3, window_bounds = array<i64: 400, 128>}, {transform_indices = @transform_4, window_bounds = array<i64: 400, 1>}]} {
    %get3A = arith.constant 0 : index
    %get3A_0 = arith.constant 0 : index
    %get3A_1 = arith.constant 0 : index
    %get3A_2 = vector.load %arg3[%get3A, %get3A_0, %get3A_1] : memref<2x400x128xf32, #tpu.memory_space<vmem>>, vector<1x400x128xf32>
    %get3A_3 = vector.shape_cast %get3A_2 : vector<1x400x128xf32> to vector<400x128xf32>
    %get3A_4 = arith.constant 1 : index
    %get3A_5 = arith.constant 0 : index
    %get3A_6 = arith.constant 0 : index
    %get3A_7 = vector.load %arg3[%get3A_4, %get3A_5, %get3A_6] : memref<2x400x128xf32, #tpu.memory_space<vmem>>, vector<1x400x128xf32>
    %get3A_8 = vector.shape_cast %get3A_7 : vector<1x400x128xf32> to vector<400x128xf32>
    %add3A = arith.addf %get3A_3, %get3A_8 : vector<400x128xf32>
    %slice3A = vector.extract_strided_slice %add3A {offsets = [0, 0], sizes = [400, 1], strides = [1, 1]} : vector<400x128xf32> to vector<400x1xf32>
    %gt3A = arith.constant 0.000000e+00 : f32
    %gt3A_9 = vector.broadcast %gt3A : f32 to vector<400x1xf32>
    %gt3A_10 = arith.cmpf ogt, %slice3A, %gt3A_9 : vector<400x1xf32>
    %max3A = arith.constant 1.000000e+00 : f32
    %max3A_11 = vector.broadcast %max3A : f32 to vector<400x1xf32>
    %max3A_12 = arith.maximumf %slice3A, %max3A_11 : vector<400x1xf32>
    %rsqrt3A = math.rsqrt %max3A_12 : vector<400x1xf32>
    %jit3A = arith.constant 0.000000e+00 : f32
    %broadcast_in_dim3A = vector.broadcast %jit3A : f32 to vector<400x1xf32>
    %select_n3A = arith.select %gt3A_10, %rsqrt3A, %broadcast_in_dim3A : vector<400x1xi1>, vector<400x1xf32>
    %swap3A = arith.constant 0 : index
    %swap3A_13 = arith.constant 0 : index
    %swap3A_14 = vector.load %arg5[%swap3A, %swap3A_13] : memref<400x1xf32, #tpu.memory_space<vmem>>, vector<400x1xf32>
    tpu.vector_store %arg5[%swap3A, %swap3A_13], %select_n3A {strides = array<i32>} : memref<400x1xf32, #tpu.memory_space<vmem>>, vector<400x1xf32>,
    %get3A_15 = arith.constant 0 : index
    %get3A_16 = arith.constant 0 : index
    %get3A_17 = vector.load %arg1[%get3A_15, %get3A_16] : memref<400x128xf32, #tpu.memory_space<vmem>>, vector<400x128xf32>
    %get3A_18 = arith.constant 0 : index
    %get3A_19 = arith.constant 0 : index
    %get3A_20 = vector.load %arg2[%get3A_18, %get3A_19] : memref<128x128xf32, #tpu.memory_space<vmem>>, vector<128x128xf32>
    %dot_general3A = arith.constant dense<0.000000e+00> : vector<400x128xf32>
    %dot_general3A_21 = tpu.matmul %get3A_17, %get3A_20, %dot_general3A {dimension_numbers = #tpu.dot_dimension_numbers<[1], [0], [0], [1], [0, 0, 1, 1], [], []>, transpose_lhs_hint = false} : vector<400x128xf32>, vector<128x128xf32>, vector<400x128xf32> -> vector<400x128xf32>
    %mul3A = vector.broadcast %select_n3A : vector<400x1xf32> to vector<400x128xf32>
    %mul3A_22 = arith.mulf %dot_general3A_21, %mul3A : vector<400x128xf32>
    %swap3A_23 = arith.constant 0 : index
    %swap3A_24 = arith.constant 0 : index
    %swap3A_25 = vector.load %arg4[%swap3A_23, %swap3A_24] : memref<400x128xf32, #tpu.memory_space<vmem>>, vector<400x128xf32>
    tpu.vector_store %arg4[%swap3A_23, %swap3A_24], %mul3A_22 {strides = array<i32>} : memref<400x128xf32, #tpu.memory_space<vmem>>, vector<400x128xf32>,
    return
  }
  func.func @transform_0(%arg0: i32) -> (i32, i32) {
    %c0_i32 = arith.constant 0 : i32
    %c0_i32_0 = arith.constant 0 : i32
    return %arg0, %c0_i32 : i32, i32
  }
  func.func @transform_1(%arg0: i32) -> (i32, i32) {
    %c0_i32 = arith.constant 0 : i32
    %c0_i32_0 = arith.constant 0 : i32
    %c0_i32_1 = arith.constant 0 : i32
    return %c0_i32, %c0_i32_0 : i32, i32
  }
  func.func @transform_2(%arg0: i32) -> (i32, i32, i32) {
    %c0_i32 = arith.constant 0 : i32
    %c0_i32_0 = arith.constant 0 : i32
    %c0_i32_1 = arith.constant 0 : i32
    return %c0_i32, %arg0, %c0_i32_0 : i32, i32, i32
  }
  func.func @transform_3(%arg0: i32) -> (i32, i32) {
    %c0_i32 = arith.constant 0 : i32
    %c0_i32_0 = arith.constant 0 : i32
    return %arg0, %c0_i32 : i32, i32
  }
  func.func @transform_4(%arg0: i32) -> (i32, i32) {
    %c0_i32 = arith.constant 0 : i32
    %c0_i32_0 = arith.constant 0 : i32
    return %arg0, %c0_i32 : i32, i32
  }
}

module attributes {stable_mosaic.version = 14 : i64} {
  func.func @body(%arg0: i32, %arg1: memref<2x400x128xf32, #tpu.memory_space<vmem>>, %arg2: memref<400x1xf32, #tpu.memory_space<vmem>>, %arg3: memref<1x128xf32, #tpu.memory_space<vmem>>, %arg4: memref<128x128xf32, #tpu.memory_space<vmem>>, %arg5: memref<400x128xf32, #tpu.memory_space<vmem>>) attributes {dimension_semantics = [#tpu.dimension_semantics<arbitrary>], iteration_bounds = array<i64: 25>, scalar_prefetch = 0 : i64, scratch_operands = 0 : i64, tpu.core_type = #tpu.core_type<tc>, window_params = [{transform_indices = @transform_0, window_bounds = array<i64: 2, 400, 128>}, {transform_indices = @transform_1, window_bounds = array<i64: 400, 1>}, {pipeline_mode = #tpu.pipeline_mode<synchronous>, transform_indices = @transform_2, window_bounds = array<i64: 1, 128>}, {pipeline_mode = #tpu.pipeline_mode<synchronous>, transform_indices = @transform_3, window_bounds = array<i64: 128, 128>}, {transform_indices = @transform_4, window_bounds = array<i64: 400, 128>}]} {
    %get3A = arith.constant 0 : index
    %get3A_0 = arith.constant 0 : index
    %get3A_1 = arith.constant 0 : index
    %get3A_2 = vector.load %arg1[%get3A, %get3A_0, %get3A_1] : memref<2x400x128xf32, #tpu.memory_space<vmem>>, vector<1x400x128xf32>
    %get3A_3 = vector.shape_cast %get3A_2 : vector<1x400x128xf32> to vector<400x128xf32>
    %get3A_4 = arith.constant 1 : index
    %get3A_5 = arith.constant 0 : index
    %get3A_6 = arith.constant 0 : index
    %get3A_7 = vector.load %arg1[%get3A_4, %get3A_5, %get3A_6] : memref<2x400x128xf32, #tpu.memory_space<vmem>>, vector<1x400x128xf32>
    %get3A_8 = vector.shape_cast %get3A_7 : vector<1x400x128xf32> to vector<400x128xf32>
    %add3A = arith.addf %get3A_3, %get3A_8 : vector<400x128xf32>
    %get3A_9 = arith.constant 0 : index
    %get3A_10 = arith.constant 0 : index
    %get3A_11 = vector.load %arg2[%get3A_9, %get3A_10] : memref<400x1xf32, #tpu.memory_space<vmem>>, vector<400x1xf32>
    %mul3A = vector.broadcast %get3A_11 : vector<400x1xf32> to vector<400x128xf32>
    %mul3A_12 = arith.mulf %add3A, %mul3A : vector<400x128xf32>
    %get3A_13 = arith.constant 0 : index
    %get3A_14 = arith.constant 0 : index
    %get3A_15 = vector.load %arg3[%get3A_13, %get3A_14] : memref<1x128xf32, #tpu.memory_space<vmem>>, vector<1x128xf32>
    %add3A_16 = vector.broadcast %get3A_15 : vector<1x128xf32> to vector<400x128xf32>
    %add3A_17 = arith.addf %mul3A_12, %add3A_16 : vector<400x128xf32>
    %max3A = arith.constant 0.000000e+00 : f32
    %max3A_18 = vector.broadcast %max3A : f32 to vector<400x128xf32>
    %max3A_19 = arith.maximumf %add3A_17, %max3A_18 : vector<400x128xf32>
    %get3A_20 = arith.constant 0 : index
    %get3A_21 = arith.constant 0 : index
    %get3A_22 = vector.load %arg4[%get3A_20, %get3A_21] : memref<128x128xf32, #tpu.memory_space<vmem>>, vector<128x128xf32>
    %dot_general3A = arith.constant dense<0.000000e+00> : vector<400x128xf32>
    %dot_general3A_23 = tpu.matmul %max3A_19, %get3A_22, %dot_general3A {dimension_numbers = #tpu.dot_dimension_numbers<[1], [0], [0], [1], [0, 0, 1, 1], [], []>, transpose_lhs_hint = false} : vector<400x128xf32>, vector<128x128xf32>, vector<400x128xf32> -> vector<400x128xf32>
    %mul3A_24 = vector.broadcast %get3A_11 : vector<400x1xf32> to vector<400x128xf32>
    %mul3A_25 = arith.mulf %dot_general3A_23, %mul3A_24 : vector<400x128xf32>
    %swap3A = arith.constant 0 : index
    %swap3A_26 = arith.constant 0 : index
    %swap3A_27 = vector.load %arg5[%swap3A, %swap3A_26] : memref<400x128xf32, #tpu.memory_space<vmem>>, vector<400x128xf32>
    tpu.vector_store %arg5[%swap3A, %swap3A_26], %mul3A_25 {strides = array<i32>} : memref<400x128xf32, #tpu.memory_space<vmem>>, vector<400x128xf32>,
    return
  }
  func.func @transform_0(%arg0: i32) -> (i32, i32, i32) {
    %c0_i32 = arith.constant 0 : i32
    %c0_i32_0 = arith.constant 0 : i32
    %c0_i32_1 = arith.constant 0 : i32
    return %c0_i32, %arg0, %c0_i32_0 : i32, i32, i32
  }
  func.func @transform_1(%arg0: i32) -> (i32, i32) {
    %c0_i32 = arith.constant 0 : i32
    %c0_i32_0 = arith.constant 0 : i32
    return %arg0, %c0_i32 : i32, i32
  }
  func.func @transform_2(%arg0: i32) -> (i32, i32) {
    %c0_i32 = arith.constant 0 : i32
    %c0_i32_0 = arith.constant 0 : i32
    %c0_i32_1 = arith.constant 0 : i32
    return %c0_i32, %c0_i32_0 : i32, i32
  }
  func.func @transform_3(%arg0: i32) -> (i32, i32) {
    %c0_i32 = arith.constant 0 : i32
    %c0_i32_0 = arith.constant 0 : i32
    %c0_i32_1 = arith.constant 0 : i32
    return %c0_i32, %c0_i32_0 : i32, i32
  }
  func.func @transform_4(%arg0: i32) -> (i32, i32) {
    %c0_i32 = arith.constant 0 : i32
    %c0_i32_0 = arith.constant 0 : i32
    return %arg0, %c0_i32 : i32, i32
  }
}

module attributes {stable_mosaic.version = 14 : i64} {
  func.func @body(%arg0: i32, %arg1: memref<2x400x128xf32, #tpu.memory_space<vmem>>, %arg2: memref<400x1xf32, #tpu.memory_space<vmem>>, %arg3: memref<1x128xf32, #tpu.memory_space<vmem>>, %arg4: memref<400x128xf32, #tpu.memory_space<vmem>>) attributes {dimension_semantics = [#tpu.dimension_semantics<arbitrary>], iteration_bounds = array<i64: 25>, scalar_prefetch = 0 : i64, scratch_operands = 0 : i64, tpu.core_type = #tpu.core_type<tc>, window_params = [{transform_indices = @transform_0, window_bounds = array<i64: 2, 400, 128>}, {transform_indices = @transform_1, window_bounds = array<i64: 400, 1>}, {pipeline_mode = #tpu.pipeline_mode<synchronous>, transform_indices = @transform_2, window_bounds = array<i64: 1, 128>}, {transform_indices = @transform_3, window_bounds = array<i64: 400, 128>}]} {
    %get3A = arith.constant 0 : index
    %get3A_0 = arith.constant 0 : index
    %get3A_1 = arith.constant 0 : index
    %get3A_2 = vector.load %arg1[%get3A, %get3A_0, %get3A_1] : memref<2x400x128xf32, #tpu.memory_space<vmem>>, vector<1x400x128xf32>
    %get3A_3 = vector.shape_cast %get3A_2 : vector<1x400x128xf32> to vector<400x128xf32>
    %get3A_4 = arith.constant 1 : index
    %get3A_5 = arith.constant 0 : index
    %get3A_6 = arith.constant 0 : index
    %get3A_7 = vector.load %arg1[%get3A_4, %get3A_5, %get3A_6] : memref<2x400x128xf32, #tpu.memory_space<vmem>>, vector<1x400x128xf32>
    %get3A_8 = vector.shape_cast %get3A_7 : vector<1x400x128xf32> to vector<400x128xf32>
    %add3A = arith.addf %get3A_3, %get3A_8 : vector<400x128xf32>
    %get3A_9 = arith.constant 0 : index
    %get3A_10 = arith.constant 0 : index
    %get3A_11 = vector.load %arg2[%get3A_9, %get3A_10] : memref<400x1xf32, #tpu.memory_space<vmem>>, vector<400x1xf32>
    %mul3A = vector.broadcast %get3A_11 : vector<400x1xf32> to vector<400x128xf32>
    %mul3A_12 = arith.mulf %add3A, %mul3A : vector<400x128xf32>
    %get3A_13 = arith.constant 0 : index
    %get3A_14 = arith.constant 0 : index
    %get3A_15 = vector.load %arg3[%get3A_13, %get3A_14] : memref<1x128xf32, #tpu.memory_space<vmem>>, vector<1x128xf32>
    %add3A_16 = vector.broadcast %get3A_15 : vector<1x128xf32> to vector<400x128xf32>
    %add3A_17 = arith.addf %mul3A_12, %add3A_16 : vector<400x128xf32>
    %max3A = arith.constant 0.000000e+00 : f32
    %max3A_18 = vector.broadcast %max3A : f32 to vector<400x128xf32>
    %max3A_19 = arith.maximumf %add3A_17, %max3A_18 : vector<400x128xf32>
    %mul3A_20 = vector.broadcast %get3A_11 : vector<400x1xf32> to vector<400x128xf32>
    %mul3A_21 = arith.mulf %max3A_19, %mul3A_20 : vector<400x128xf32>
    %swap3A = arith.constant 0 : index
    %swap3A_22 = arith.constant 0 : index
    %swap3A_23 = vector.load %arg4[%swap3A, %swap3A_22] : memref<400x128xf32, #tpu.memory_space<vmem>>, vector<400x128xf32>
    tpu.vector_store %arg4[%swap3A, %swap3A_22], %mul3A_21 {strides = array<i32>} : memref<400x128xf32, #tpu.memory_space<vmem>>, vector<400x128xf32>,
    return
  }
  func.func @transform_0(%arg0: i32) -> (i32, i32, i32) {
    %c0_i32 = arith.constant 0 : i32
    %c0_i32_0 = arith.constant 0 : i32
    %c0_i32_1 = arith.constant 0 : i32
    return %c0_i32, %arg0, %c0_i32_0 : i32, i32, i32
  }
  func.func @transform_1(%arg0: i32) -> (i32, i32) {
    %c0_i32 = arith.constant 0 : i32
    %c0_i32_0 = arith.constant 0 : i32
    return %arg0, %c0_i32 : i32, i32
  }
  func.func @transform_2(%arg0: i32) -> (i32, i32) {
    %c0_i32 = arith.constant 0 : i32
    %c0_i32_0 = arith.constant 0 : i32
    %c0_i32_1 = arith.constant 0 : i32
    return %c0_i32, %c0_i32_0 : i32, i32
  }
  func.func @transform_3(%arg0: i32) -> (i32, i32) {
    %c0_i32 = arith.constant 0 : i32
    %c0_i32_0 = arith.constant 0 : i32
    return %arg0, %c0_i32 : i32, i32
  }
}

module attributes {stable_mosaic.version = 14 : i64} {
  func.func @body(%arg0: i32, %arg1: memref<2x400x128xf32, #tpu.memory_space<vmem>>, %arg2: memref<400x1xf32, #tpu.memory_space<vmem>>, %arg3: memref<1x64xf32, #tpu.memory_space<vmem>>, %arg4: memref<128x64xf32, #tpu.memory_space<vmem>>, %arg5: memref<400x64xf32, #tpu.memory_space<vmem>>) attributes {dimension_semantics = [#tpu.dimension_semantics<arbitrary>], iteration_bounds = array<i64: 25>, scalar_prefetch = 0 : i64, scratch_operands = 0 : i64, tpu.core_type = #tpu.core_type<tc>, window_params = [{transform_indices = @transform_0, window_bounds = array<i64: 2, 400, 128>}, {transform_indices = @transform_1, window_bounds = array<i64: 400, 1>}, {pipeline_mode = #tpu.pipeline_mode<synchronous>, transform_indices = @transform_2, window_bounds = array<i64: 1, 64>}, {pipeline_mode = #tpu.pipeline_mode<synchronous>, transform_indices = @transform_3, window_bounds = array<i64: 128, 64>}, {transform_indices = @transform_4, window_bounds = array<i64: 400, 64>}]} {
    %get3A = arith.constant 0 : index
    %get3A_0 = arith.constant 0 : index
    %get3A_1 = arith.constant 0 : index
    %get3A_2 = vector.load %arg1[%get3A, %get3A_0, %get3A_1] : memref<2x400x128xf32, #tpu.memory_space<vmem>>, vector<1x400x128xf32>
    %get3A_3 = vector.shape_cast %get3A_2 : vector<1x400x128xf32> to vector<400x128xf32>
    %get3A_4 = arith.constant 1 : index
    %get3A_5 = arith.constant 0 : index
    %get3A_6 = arith.constant 0 : index
    %get3A_7 = vector.load %arg1[%get3A_4, %get3A_5, %get3A_6] : memref<2x400x128xf32, #tpu.memory_space<vmem>>, vector<1x400x128xf32>
    %get3A_8 = vector.shape_cast %get3A_7 : vector<1x400x128xf32> to vector<400x128xf32>
    %add3A = arith.addf %get3A_3, %get3A_8 : vector<400x128xf32>
    %get3A_9 = arith.constant 0 : index
    %get3A_10 = arith.constant 0 : index
    %get3A_11 = vector.load %arg2[%get3A_9, %get3A_10] : memref<400x1xf32, #tpu.memory_space<vmem>>, vector<400x1xf32>
    %mul3A = vector.broadcast %get3A_11 : vector<400x1xf32> to vector<400x128xf32>
    %mul3A_12 = arith.mulf %add3A, %mul3A : vector<400x128xf32>
    %get3A_13 = arith.constant 0 : index
    %get3A_14 = arith.constant 0 : index
    %get3A_15 = vector.load %arg4[%get3A_13, %get3A_14] : memref<128x64xf32, #tpu.memory_space<vmem>>, vector<128x64xf32>
    %dot_general3A = arith.constant dense<0.000000e+00> : vector<400x64xf32>
    %dot_general3A_16 = tpu.matmul %mul3A_12, %get3A_15, %dot_general3A {dimension_numbers = #tpu.dot_dimension_numbers<[1], [0], [0], [1], [0, 0, 1, 1], [], []>, transpose_lhs_hint = false} : vector<400x128xf32>, vector<128x64xf32>, vector<400x64xf32> -> vector<400x64xf32>
    %get3A_17 = arith.constant 0 : index
    %get3A_18 = arith.constant 0 : index
    %get3A_19 = vector.load %arg3[%get3A_17, %get3A_18] : memref<1x64xf32, #tpu.memory_space<vmem>>, vector<1x64xf32>
    %add3A_20 = vector.broadcast %get3A_19 : vector<1x64xf32> to vector<400x64xf32>
    %add3A_21 = arith.addf %dot_general3A_16, %add3A_20 : vector<400x64xf32>
    %swap3A = arith.constant 0 : index
    %swap3A_22 = arith.constant 0 : index
    %swap3A_23 = vector.load %arg5[%swap3A, %swap3A_22] : memref<400x64xf32, #tpu.memory_space<vmem>>, vector<400x64xf32>
    tpu.vector_store %arg5[%swap3A, %swap3A_22], %add3A_21 {strides = array<i32>} : memref<400x64xf32, #tpu.memory_space<vmem>>, vector<400x64xf32>,
    return
  }
  func.func @transform_0(%arg0: i32) -> (i32, i32, i32) {
    %c0_i32 = arith.constant 0 : i32
    %c0_i32_0 = arith.constant 0 : i32
    %c0_i32_1 = arith.constant 0 : i32
    return %c0_i32, %arg0, %c0_i32_0 : i32, i32, i32
  }
  func.func @transform_1(%arg0: i32) -> (i32, i32) {
    %c0_i32 = arith.constant 0 : i32
    %c0_i32_0 = arith.constant 0 : i32
    return %arg0, %c0_i32 : i32, i32
  }
  func.func @transform_2(%arg0: i32) -> (i32, i32) {
    %c0_i32 = arith.constant 0 : i32
    %c0_i32_0 = arith.constant 0 : i32
    %c0_i32_1 = arith.constant 0 : i32
    return %c0_i32, %c0_i32_0 : i32, i32
  }
  func.func @transform_3(%arg0: i32) -> (i32, i32) {
    %c0_i32 = arith.constant 0 : i32
    %c0_i32_0 = arith.constant 0 : i32
    %c0_i32_1 = arith.constant 0 : i32
    return %c0_i32, %c0_i32_0 : i32, i32
  }
  func.func @transform_4(%arg0: i32) -> (i32, i32) {
    %c0_i32 = arith.constant 0 : i32
    %c0_i32_0 = arith.constant 0 : i32
    return %arg0, %c0_i32 : i32, i32
  }
}

</mosaic_0001>

<sc_bundles>
// kernel: kernel.10.cloned.1.call-start
scs
__scs_entry_jumppad:
0x0: {  	(pc) =	sbr.rel $0x88, $3  }
0x1: {  	(tag) =	ssettag $0x0;
	lr =	simm.s32 $0x1  }
0x2: {  	[smem:$0x3F99] =	sst lr;
	_ =	strace $0xD0000000  }
0x3: {  	_ = 	snop  }
0x4: {  	_ = 	snop  }
0x5: {  	_ = 	snop  }
0x6: {  	_ = 	snop  }
0x7: {  	_ = 	snop  }
__scs_overlays_trampoline_lowered:
0x8: {  	[smem:$0x3FA8] =	sst s0  }
0x9: {  	[smem:$0x3FA9] =	sst s1  }
0xa: {  	[smem:$0x3FAA] =	sst s2  }
0xb: {  	[smem:$0x3FAB] =	sst s3  }
0xc: {  	[smem:$0x3FAC] =	sst s4  }
0xd: {  	[smem:$0x3FAD] =	sst s5  }
0xe: {  	[smem:$0x3FAE] =	sst s6  }
0xf: {  	[smem:$0x3FAF] =	sst s7  }
0x10: {  	[smem:$0x3FB0] =	sst s8  }
0x11: {  	[smem:$0x3FB1] =	sst s9;
	s0 =	simm.s32 @!p0 $0x0  }
0x12: {  	s1 =	sld [smem:$0x3F97];
	s0 =	simm.s32 @p0 $0x1  }
0x13: {  	[smem:$0x3FB2] =	sst s0;
	s0 =	simm.s32 @!p1 $0x0  }
0x14: {  	s2 =	sld [smem:$0x3F96];
	s0 =	simm.s32 @p1 $0x1  }
0x15: {  	[smem:$0x3FB3] =	sst s0;
	s0 =	simm.s32 @!p2 $0x0  }
0x16: {  	s3 =	sld [smem:$0x3FDB];
	s0 =	simm.s32 @p2 $0x1  }
0x17: {  	s4 =	simm.s32 $0x1BF5;
	[smem:$0x3FB5] =	sst s0  }
0x18: {  	s0 =	sld [smem:$0x3F98];
	_ =	swait.ge [sflag:s4], $0x0  }
0x19: {  	s7 =	sld [smem:$0x3F99]  }
0x1a: {  	s8 =	sadd.s32 $0xFFFFE003, lr  }
0x1b: {  	s9 =	sadd.s32 $0xFFFFFEF7, lr;
	s5 =	simm.s32 $0xFFFFFFFF;
	p2 =	slt.u32 s8, $0xFFFFF086  }
0x1c: {  	p1 =	slt.u32 s9, $0xF7A;
	s5 =	simm.s32 @!p2 $0x0  }
0x1d: {  	s5 =	simm.s32 @p1 $0x1;
	p0 =	seq.s32 s7, s2  }
0x1e: {  	s7 =	smul.u32 @!p0 $0xF7A, s2;
	p2 =	seq.s32 @!p0 s5, $0x0  }
0x1f: {  	s9 =	smul.u32 $0xF7A, s1;
	s8 =	simm.s32 @!p0 $0x1BF5;
	p2 =	por !p2, p0  }
0x20: {  	[sflag:s8] =	ssyncset.s32 @!p0 $0xFFFFF086;
	s6 =	sadd.s32 @!p0 s3, s7;
	s7 =	simm.s32 @!p0 $0x108  }
0x21: {  	s3 =	sadd.s32 s3, s9;
	s6 =	sadd.s32 @!p0 $0x88, s6;
	s7 =	simm.s32 @p2 $0x1082  }
0x22: {  	[simem:s7], [sflag:s8] =	dma.local @!p0 [hbm:s6], $0xF7A  }
0x23: {  	s9 =	sor.u32 $0xD0000000, s2;
	s6 =	simm.s32 $0x108;
	_ =	swait.ge @!p0 [sflag:s8], $0x0  }
0x24: {  	s3 =	sadd.s32 $0x88, s3;
	s6 =	simm.s32 @!p1 $0x1082;
	[sflag:s4] =	ssyncset.s32 $0xFFFFF086  }
0x25: {  	[simem:s6], [sflag:s4] =	dma.local [hbm:s3], $0xF7A  }
0x26: {  	[smem:$0x3F99] =	sst s1;
	(tag) =	ssettag s2;
	_ =	strace s9  }
0x27: {  	s1 =	sld [smem:$0x3FA9]  }
0x28: {  	s2 =	sld [smem:$0x3FAA]  }
0x29: {  	s4 =	sld [smem:$0x3FAC]  }
0x2a: {  	p0 =	seq.s32 s5, $0x0;
	s5 =	sld [smem:$0x3FAD]  }
0x2b: {  	s6 =	sld [smem:$0x3FAE]  }
0x2c: {  	s7 =	sld [smem:$0x3FAF]  }
0x2d: {  	s3 =	simm.s32 $0x108;
	s8 =	sld [smem:$0x3FB0]  }
0x2e: {  	s3 =	simm.s32 @!p0 $0x1082;
	s9 =	sld [smem:$0x3FB1]  }
0x2f: {  	lr =	sadd.s32 s0, s3;
	s0 =	sld [smem:$0x3FA8]  }
0x30: {  	s3 =	sld [smem:$0x3FAB]  }
0x31: {  	[smem:$0x3FB4] =	sst s10  }
0x32: {  	s10 =	sld [smem:$0x3FB2];
	_ =	sdelay $0x3  }
0x33: {  	p0 =	seq.s32 s10, $0x1;
	s10 =	sld [smem:$0x3FB4];
	_ =	sdelay $0x3  }
0x34: {  	[smem:$0x3FB4] =	sst s10  }
0x35: {  	s10 =	sld [smem:$0x3FB3];
	_ =	sdelay $0x3  }
0x36: {  	p1 =	seq.s32 s10, $0x1;
	s10 =	sld [smem:$0x3FB4];
	_ =	sdelay $0x3  }
0x37: {  	[smem:$0x3FB4] =	sst s10  }
0x38: {  	s10 =	sld [smem:$0x3FB5]  }
0x39: {  	_ = 	snop;
	(pc) =	sbr.ind lr, $3  }
0x3a: {  	_ = 	snop  }
0x3b: {  	_ = 	snop  }
0x3c: {  	p2 =	seq.s32 s10, $0x1;
	s10 =	sld [smem:$0x3FB4]  }
0x3d: {  	_ =	shalt  }
0x3e: {  	_ =	shalt  }
0x3f: {  	_ =	shalt  }
0x40: {  	_ =	shalt  }
0x41: {  	_ =	shalt  }
0x42: {  	_ =	shalt  }
0x43: {  	_ =	shalt  }
0x44: {  	_ =	shalt  }
0x45: {  	_ =	shalt  }
0x46: {  	_ =	shalt  }
0x47: {  	_ =	shalt  }
0x48: {  	_ =	shalt  }
0x49: {  	_ =	shalt  }
0x4a: {  	_ =	shalt  }
0x4b: {  	_ =	shalt  }
0x4c: {  	_ =	shalt  }
0x4d: {  	_ =	shalt  }
0x4e: {  	_ =	shalt  }
0x4f: {  	_ =	shalt  }
0x50: {  	_ =	shalt  }
0x51: {  	_ =	shalt  }
0x52: {  	_ =	shalt  }
0x53: {  	_ =	shalt  }
0x54: {  	_ =	shalt  }
0x55: {  	_ =	shalt  }
0x56: {  	_ =	shalt  }
0x57: {  	_ =	shalt  }
0x58: {  	_ =	shalt  }
0x59: {  	_ =	shalt  }
0x5a: {  	_ =	shalt  }
0x5b: {  	_ =	shalt  }
0x5c: {  	_ =	shalt  }
0x5d: {  	_ =	shalt  }
0x5e: {  	_ =	shalt  }
0x5f: {  	_ =	shalt  }
0x60: {  	_ =	shalt  }
0x61: {  	_ =	shalt  }
0x62: {  	_ =	shalt  }
0x63: {  	_ =	shalt  }
0x64: {  	_ =	shalt  }
0x65: {  	_ =	shalt  }
0x66: {  	_ =	shalt  }
0x67: {  	_ =	shalt  }
0x68: {  	_ =	shalt  }
0x69: {  	_ =	shalt  }
0x6a: {  	_ =	shalt  }
0x6b: {  	_ =	shalt  }
0x6c: {  	_ =	shalt  }
0x6d: {  	_ =	shalt  }
0x6e: {  	_ =	shalt  }
0x6f: {  	_ =	shalt  }
0x70: {  	_ =	shalt  }
0x71: {  	_ =	shalt  }
0x72: {  	_ =	shalt  }
0x73: {  	_ =	shalt  }
0x74: {  	_ =	shalt  }
0x75: {  	_ =	shalt  }
0x76: {  	_ =	shalt  }
0x77: {  	_ =	shalt  }
0x78: {  	_ =	shalt  }
0x79: {  	_ =	shalt  }
0x7a: {  	_ =	shalt  }
0x7b: {  	_ =	shalt  }
0x7c: {  	_ =	shalt  }
0x7d: {  	_ =	shalt  }
0x7e: {  	_ =	shalt  }
0x7f: {  	_ =	shalt  }
0x80: {  	_ =	shalt  }
0x81: {  	_ =	shalt  }
0x82: {  	_ =	shalt  }
0x83: {  	_ =	shalt  }
0x84: {  	_ =	shalt  }
0x85: {  	_ =	shalt  }
0x86: {  	_ =	shalt  }
0x87: {  	_ =	shalt  }
.Lfunc_end0:
.L_simem_size_0:
called_computation_lowered:
.L_overlay_start_0:
0x88: {  	s2 =	sld [smem:$0x3FD9]  }
0x89: {  	s3 =	sld [smem:$0x3FFE];
	_ =	sdelay $0x1  }
0x8a: {  	s1 =	srdreg.scid  }
0x8b: {  	s0 =	sand.u32 $0x1, s1  }
0x8c: {  	s16 =	sshll.u32 s0, $0xA;
	s2 =	sadd.s32 s3, s2  }
0x8d: {  	s2 =	sadd.s32 s2, s16  }
0x8e: {  	[smem:$0x3FC0] =	sst s2  }
0x8f: {  	_ = 	snop  }
0x90: {  	(tm) =	ssettm $0x1  }
0x91: {  	s17 =	sld [smem:$0x3FFB];
	_ =	sdelay $0x3  }
0x92: {  	_ =	strace s17  }
0x93: {  	s2 =	sld [smem:$0x3FFC];
	_ =	sdelay $0x3  }
0x94: {  	_ =	strace s2  }
0x95: {  	s2 =	sld [smem:$0x3FFD];
	_ =	sdelay $0x3  }
0x96: {  	_ =	strace s2  }
0x97: {  	_ =	strace $0x8FFFFFFF  }
0x98: {  	s18 =	sld [smem:$0x3FDB];
	_ =	sdelay $0x1  }
0x99: {  	s19 =	simm.s32 $_scs_section_size  }
0x9a: {  	s4 =	simm.s32 $_size__tile_overlayer_lowered;
	s5 =	simm.s32 $_tile_overlayer_lowered  }
0x9b: {  	s22 =	simm.s32 $0x1BFF;
	s21 =	sshll.u32 s5, $0x1;
	s2 =	sadd.s32 s19, s18  }
0x9c: {  	s6 =	simm.s32 $0x0;
	s20 =	sshll.u32 s4, $0x1;
	s4 =	sadd.s32 s21, s2  }
0x9d: {  	[timem:s6], [sflag:s22] =	dma.local [hbm:s4], s20  }
0x9e: {  	_ =	swait.ge [sflag:s22], s20  }
0x9f: {  	s3 =	ssub.s32 $0x0, s20;
	[sflag:s22] =	ssyncset.done $0x0  }
0xa0: {  	[sflag:s22] =	ssyncadd.s32 s3;
	_ =	sdelay $0x1  }
0xa1: {  	s23 =	simm.s32 $0x1B8B  }
0xa2: {  	_ =	swait.ge [sflag:s23], $0x1  }
0xa3: {  	[sflag:s23] =	ssyncset.done $0x0  }
0xa4: {  	s25 =	simm.s32 $0x1B8E;
	s24 =	sld [smem:$0x3FFE];
	[sflag:s23] =	ssyncadd.s32 $0xFFFFFFFF  }
0xa5: {  	s26 =	simm.s32 $execute0_lowered;
	[smem:$0x3FD2] =	sst s25  }
0xa6: {  	s4 =	sshll.u32 s26, $0x1;
	_ =	strace $0x80000046;
	[dreg:$0x1] =	wrdreg $0xFFFFFFFF  }
0xa7: {  	s28 =	simm.s32 $_size_execute0_lowered;
	s2 =	sadd.s32 s2, s4;
	[dreg:$0x0] =	wrdreg $0x0  }
0xa8: {  	s4 =	sshll.u32 s28, $0x1;
	[dreg:$0x2] =	wrdreg s2  }
0xa9: {  	[dreg:$0x3] =	wrdreg s4  }
0xaa: {  	[dreg:$0x4] =	wrdreg $0xC0  }
0xab: {  	_ =	task [dreg:s6], $0x5FFFF  }
0xac: {  	[dreg:$0x1] =	wrdreg $0xFFFFFFFF  }
0xad: {  	[dreg:$0x0] =	wrdreg $0x60  }
0xae: {  	[dreg:$0x2] =	wrdreg s24  }
0xaf: {  	[dreg:$0x3] =	wrdreg $0x28800  }
0xb0: {  	[dreg:$0x4] =	wrdreg $0x9  }
0xb1: {  	_ =	task.clear_ibuf [dreg:s6], $0x5FFFF;
	_ =	strace $0x90000046  }
0xb2: {  	s29 =	simm.s32 $0x9;
	_ =	strace $0x80000048  }
0xb3: {  	_ =	swait.ge [sflag:s29], $0x1  }
0xb4: {  	[sflag:s29] =	ssyncadd.s32 $0xFFFFFFFF  }
0xb5: {  	_ =	strace $0x90000048  }
0xb6: {  	_ =	sfence  }
0xb7: {  	s30 =	sld [smem:$0x0];
	_ =	sdelay $0x2  }
0xb8: {  	s31 =	sshll.u32 s1, $0xD;
	s1 =	sshrl.u32 s1, $0x2  }
0xb9: {  	s3 =	sand.u32 $0x4000, s31;
	s1 =	sadd.s32 s1, s30  }
0xba: {  	s0 =	sor.u32 s3, s0;
	s1 =	sshll.u32 s1, $0x11  }
0xbb: {  	s0 =	sor.u32 s1, s0  }
0xbc: {  	s0 =	sadd.s32 $0x8F2B, s0  }
0xbd: {  	[sflag:s0] =	ssyncadd.remote.s32 $0x1  }
0xbe: {  	_ =	sfence.sel $0xFFFF  }
0xbf: {  	[dreg:$0x0] =	wrdreg $0xFFFFFFFF;
	(pc) =	sbr.abs _section_cstart, $3  }
0xc0: {  	[dreg:$0x1] =	wrdreg $0xFFFFFFFF  }
0xc1: {  	_ =	task.clear_ibuf [dreg:s6], $0x2FFFF;
	_ =	strace $0x9FFFFFFF  }
0xc2: {  	(tm) =	ssettm $0x7FFFFFFF  }
0xc3: {  	_ =	shalt  }
tec
execute0_lowered:
.L_overlay_start_1:
0x0: {  	(tag) =	ssettag $0x1  }
0x1: {  	s0 =	srdreg.scid;
	s5 =	rddreg [dreg:$0x0]  }
0x2: {  	s2 =	rddreg [dreg:$0x1];
	s4 =	sand.u32 $0x1, s0  }
0x3: {  	s0 =	stileid.u32;
	s6 =	smul.u32 $0x27100, s4  }
0x4: {  	s1 =	rddreg [dreg:$0x2];
	s3 =	simm.s32 $0x0;
	s7 =	smul.u32 $0x2710, s0  }
0x5: {  	s12 =	simm.s32 $0x80;
	s13 =	simm.s32 $0x50;
	s8 =	smul.u32 $0x13C00, s0  }
0x6: {  	s14 =	simm.s32 $0x0;
	[smem:$0x7FF] =	sst s3;
	s9 =	smul.u32 $0x13C000, s4  }
0x7: {  	_ =	strace $0x80000047;
	s26 =	ssub.s32 $0x2, s4;
	s28 =	smul.u32 $0x4F000, s0  }
0x8: {  	s4 =	sadd.s32 $0x34000, s5;
	s31 =	sshll.u32 s0, $0x6;
	s11 =	sshrl.u32 s26, $0x1  }
0x9: {  	s6 =	sadd.s32 s7, s6;
	s23 =	sshrl.u32 s8, $0x3;
	s25 =	sadd.s32 s8, s9  }
0xa: {  	s8 =	ssub.s32 s26, s11;
	s29 =	sshrl.u32 s28, $0x2;
	s11 =	simm.s32 $0x1  }
0xb: {  	s6 =	sshrl.u32 s6, $0x3;
	s24 =	sadd.s32 s23, s5;
	s7 =	sshrl.u32 s25, $0x3  }
0xc: {  	s30 =	sadd.s32 s29, s2;
	s8 =	smax.u32 s8, $0x1;
	s10 =	sadd.s32 s6, s5  }
0xd: {  	s7 =	sadd.s32 s7, s5;
	s5 =	sadd.s32 $0xC800, s24;
	s6 =	sor.u32 $0x1C01, s31  }
0xe: {  	s7 =	sadd.s32 $0x34600, s7;
	s9 =	sadd.s32 $0x2A00, s10;
	s10 =	sshrl.u32 s30, $0x3  }
.LBB2_1:
0xf: {  	[spmem:s10], [sflag:s6] =	dma.local [hbm:s5], $0x2780  }
0x10: {  	_ =	swait.ge [sflag:s11], $0x2780  }
0x11: {  	[sflag:s11] =	ssyncset.done $0x0  }
0x12: {  	[sflag:s11] =	ssyncadd.s32 $0xFFFFD880  }
0x13: {  	[tilespmem:s12], [sflag:$0x1] =	stream.linear.gather [hbm4b:s4+s3], $0x2800, $0x38;
	[tilespmem:$0x16480] =	vst v63  }
0x14: {  	_ =	swait.ge [sflag:s11], $0x2800  }
0x15: {  	[sflag:s11] =	ssyncset.done $0x0  }
0x16: {  	[sflag:s11] =	ssyncadd.s32 $0xFFFFD800  }
0x17: {  	s15 =	sadd.s32 $0x0, s9;
	[bflag:$0x0] =	sbarrier.arrive $0xFFFF  }
0x18: {  	[tilespmem:s3], [sflag:$0x1] =	stream.linear.gather [hbm4b:s15+s3], $0x50, $0x38;
	[tilespmem:$0x16480] =	vst v63  }
0x19: {  	_ =	swait.ge [sflag:s11], $0x50  }
0x1a: {  	[sflag:s11] =	ssyncset.done $0x0  }
0x1b: {  	[sflag:s11] =	ssyncadd.s32 $0xFFFFFFB0  }
0x1c: {  	[spmem:s2] =	stream.indirect.scatter.add.f32 [tilespmem:s12], [sflag:$0x1], $0x80, s3, s13, $0xb8;
	[tilespmem:$0x16480] =	vst v63  }
0x1d: {  	_ =	swait.ge [sflag:s11], $0x2800  }
0x1e: {  	s16 =	simm.s32 $0x14;
	s15 =	simm.s32 $0xA;
	[sflag:s11] =	ssyncset.done $0x0  }
.LBB2_2:
0x1f: {  	s17 =	sadd.s32 s15, s9  }
0x20: {  	[sflag:s11] =	ssyncadd.s32 $0xFFFFD800;
	s15 =	smov.u32 s16;
	s18 =	sadd.s32 $0xA, s16  }
0x21: {  	[tilespmem:s3], [sflag:$0x1] =	stream.linear.gather [hbm4b:s17+s3], $0x50, $0x38;
	[tilespmem:$0x16480] =	vst v63  }
0x22: {  	p0 =	sne.s32 s16, $0x4D8;
	_ =	swait.ge [sflag:s11], $0x50  }
.Ltmp0:
0x23: {  	[sflag:s11] =	ssyncset.done $0x0;
	(pc) =	sbr.rel @p0 .LBB2_2-.Ltmp0, $4  }
0x24: {  	[sflag:s11] =	ssyncadd.s32 $0xFFFFFFB0  }
0x25: {  	[spmem:s2] =	stream.indirect.scatter.add.f32 [tilespmem:s12], [sflag:$0x1], $0x80, s3, s13, $0xb8;
	[tilespmem:$0x16480] =	vst v63  }
0x26: {  	_ =	swait.ge [sflag:s11], $0x2800  }
0x27: {  	s16 =	smov.u32 s18;
	[sflag:s11] =	ssyncset.done $0x0  }
0x28: {  	s15 =	sadd.s32 s15, s9;
	[sflag:s11] =	ssyncadd.s32 $0xFFFFD800  }
0x29: {  	[tilespmem:s3], [sflag:$0x1] =	stream.linear.gather [hbm4b:s15+s3], $0x50, $0x38;
	[tilespmem:$0x16480] =	vst v63  }
0x2a: {  	_ =	swait.ge [sflag:s11], $0x50  }
0x2b: {  	[sflag:s11] =	ssyncset.done $0x0  }
0x2c: {  	[sflag:s11] =	ssyncadd.s32 $0xFFFFFFB0  }
0x2d: {  	[spmem:s2] =	stream.indirect.scatter.add.f32 [tilespmem:s12], [sflag:$0x1], $0x80, s3, s13, $0xb8;
	[tilespmem:$0x16480] =	vst v63  }
0x2e: {  	_ =	swait.ge [sflag:s11], $0x2800  }
0x2f: {  	s14 =	sadd.s32 $0x1, s14;
	[sflag:s11] =	ssyncset.done $0x0  }
0x30: {  	p0 =	sne.s32 s14, s8;
	[sflag:s11] =	ssyncadd.s32 $0xFFFFD800  }
.Ltmp1:
0x31: {  	[bflag:$0x0] =	sbarrier.arrive $0xFFFF;
	(pc) =	sbr.rel @p0 .LBB2_1-.Ltmp1, $4  }
0x32: {  	[hbm:s7], [sflag:s6] =	dma.local [spmem:s10], $0x2780  }
0x33: {  	_ =	swait.ge [sflag:s11], $0x2780  }
0x34: {  	[sflag:s11] =	ssyncset.done $0x0  }
0x35: {  	[sflag:s11] =	ssyncadd.s32 $0xFFFFD880  }
0x36: {  	_ =	sfence.sel $0x180000  }
0x37: {  	[bflag:$0x0] =	sbarrier.arrive $0xFFFF  }
0x38: {  	p0 =	sne.s32 s0, $0x0;
	_ =	strace $0x90000047  }
0x39: {  	s0 =	sadd.s32 @!p0 $0x100000, s1;
	[bflag:$0x2] =	sbarrier.arrive $0xFFFF  }
0x3a: {  	[sflag:s0] =	ssyncadd.tile.s32 @!p0 $0x1;
	_ =	shalt  }
.Lfunc_end2:
_tile_overlayer_lowered:
.L_overlay_start_2:
0x3b: {  	(tag) =	ssettag $0x2  }
0x3c: {  	s0 =	rddreg [dreg:$0x0];
	s2 =	stileid.u32  }
0x3d: {  	s1 =	rddreg [dreg:$0x1];
	p0 =	sne.s32 s2, $0x0  }
0x3e: {  	s3 =	rddreg [dreg:$0x2];
	[bflag:$0x3] =	sbarrier.arrive $0xFFFF;
	s2 =	simm.s32 @!p0 $0x1C01  }
0x3f: {  	[timem:s3], [sflag:s2] =	dma.local @!p0 [hbm:s0], s1  }
0x40: {  	s0 =	simm.s32 @!p0 $0x1  }
0x41: {  	_ =	swait.ge @!p0 [sflag:s0], s1  }
0x42: {  	s1 =	ssub.s32 @!p0 $0x0, s1;
	[sflag:s0] =	ssyncset.done @!p0 $0x0  }
0x43: {  	[sflag:s0] =	ssyncadd.s32 @!p0 s1  }
0x44: {  	[bflag:$0x3] =	sbarrier.arrive $0xFFFF  }
0x45: {  	_ =	shalt  }

// kernel: kernel.13.cloned.1.call-start
scs
__scs_entry_jumppad:
0x0: {  	(pc) =	sbr.rel $0x88, $3  }
0x1: {  	(tag) =	ssettag $0x0;
	lr =	simm.s32 $0x1  }
0x2: {  	[smem:$0x3F99] =	sst lr;
	_ =	strace $0xD0000000  }
0x3: {  	_ = 	snop  }
0x4: {  	_ = 	snop  }
0x5: {  	_ = 	snop  }
0x6: {  	_ = 	snop  }
0x7: {  	_ = 	snop  }
__scs_overlays_trampoline_lowered:
0x8: {  	[smem:$0x3FA8] =	sst s0  }
0x9: {  	[smem:$0x3FA9] =	sst s1  }
0xa: {  	[smem:$0x3FAA] =	sst s2  }
0xb: {  	[smem:$0x3FAB] =	sst s3  }
0xc: {  	[smem:$0x3FAC] =	sst s4  }
0xd: {  	[smem:$0x3FAD] =	sst s5  }
0xe: {  	[smem:$0x3FAE] =	sst s6  }
0xf: {  	[smem:$0x3FAF] =	sst s7  }
0x10: {  	[smem:$0x3FB0] =	sst s8  }
0x11: {  	[smem:$0x3FB1] =	sst s9;
	s0 =	simm.s32 @!p0 $0x0  }
0x12: {  	s1 =	sld [smem:$0x3F97];
	s0 =	simm.s32 @p0 $0x1  }
0x13: {  	[smem:$0x3FB2] =	sst s0;
	s0 =	simm.s32 @!p1 $0x0  }
0x14: {  	s2 =	sld [smem:$0x3F96];
	s0 =	simm.s32 @p1 $0x1  }
0x15: {  	[smem:$0x3FB3] =	sst s0;
	s0 =	simm.s32 @!p2 $0x0  }
0x16: {  	s3 =	sld [smem:$0x3FDB];
	s0 =	simm.s32 @p2 $0x1  }
0x17: {  	s4 =	simm.s32 $0x1BF5;
	[smem:$0x3FB5] =	sst s0  }
0x18: {  	s0 =	sld [smem:$0x3F98];
	_ =	swait.ge [sflag:s4], $0x0  }
0x19: {  	s7 =	sld [smem:$0x3F99]  }
0x1a: {  	s8 =	sadd.s32 $0xFFFFE003, lr  }
0x1b: {  	s9 =	sadd.s32 $0xFFFFFEF7, lr;
	s5 =	simm.s32 $0xFFFFFFFF;
	p2 =	slt.u32 s8, $0xFFFFF086  }
0x1c: {  	p1 =	slt.u32 s9, $0xF7A;
	s5 =	simm.s32 @!p2 $0x0  }
0x1d: {  	s5 =	simm.s32 @p1 $0x1;
	p0 =	seq.s32 s7, s2  }
0x1e: {  	s7 =	smul.u32 @!p0 $0xF7A, s2;
	p2 =	seq.s32 @!p0 s5, $0x0  }
0x1f: {  	s9 =	smul.u32 $0xF7A, s1;
	s8 =	simm.s32 @!p0 $0x1BF5;
	p2 =	por !p2, p0  }
0x20: {  	[sflag:s8] =	ssyncset.s32 @!p0 $0xFFFFF086;
	s6 =	sadd.s32 @!p0 s3, s7;
	s7 =	simm.s32 @!p0 $0x108  }
0x21: {  	s3 =	sadd.s32 s3, s9;
	s6 =	sadd.s32 @!p0 $0x88, s6;
	s7 =	simm.s32 @p2 $0x1082  }
0x22: {  	[simem:s7], [sflag:s8] =	dma.local @!p0 [hbm:s6], $0xF7A  }
0x23: {  	s9 =	sor.u32 $0xD0000000, s2;
	s6 =	simm.s32 $0x108;
	_ =	swait.ge @!p0 [sflag:s8], $0x0  }
0x24: {  	s3 =	sadd.s32 $0x88, s3;
	s6 =	simm.s32 @!p1 $0x1082;
	[sflag:s4] =	ssyncset.s32 $0xFFFFF086  }
0x25: {  	[simem:s6], [sflag:s4] =	dma.local [hbm:s3], $0xF7A  }
0x26: {  	[smem:$0x3F99] =	sst s1;
	(tag) =	ssettag s2;
	_ =	strace s9  }
0x27: {  	s1 =	sld [smem:$0x3FA9]  }
0x28: {  	s2 =	sld [smem:$0x3FAA]  }
0x29: {  	s4 =	sld [smem:$0x3FAC]  }
0x2a: {  	p0 =	seq.s32 s5, $0x0;
	s5 =	sld [smem:$0x3FAD]  }
0x2b: {  	s6 =	sld [smem:$0x3FAE]  }
0x2c: {  	s7 =	sld [smem:$0x3FAF]  }
0x2d: {  	s3 =	simm.s32 $0x108;
	s8 =	sld [smem:$0x3FB0]  }
0x2e: {  	s3 =	simm.s32 @!p0 $0x1082;
	s9 =	sld [smem:$0x3FB1]  }
0x2f: {  	lr =	sadd.s32 s0, s3;
	s0 =	sld [smem:$0x3FA8]  }
0x30: {  	s3 =	sld [smem:$0x3FAB]  }
0x31: {  	[smem:$0x3FB4] =	sst s10  }
0x32: {  	s10 =	sld [smem:$0x3FB2];
	_ =	sdelay $0x3  }
0x33: {  	p0 =	seq.s32 s10, $0x1;
	s10 =	sld [smem:$0x3FB4];
	_ =	sdelay $0x3  }
0x34: {  	[smem:$0x3FB4] =	sst s10  }
0x35: {  	s10 =	sld [smem:$0x3FB3];
	_ =	sdelay $0x3  }
0x36: {  	p1 =	seq.s32 s10, $0x1;
	s10 =	sld [smem:$0x3FB4];
	_ =	sdelay $0x3  }
0x37: {  	[smem:$0x3FB4] =	sst s10  }
0x38: {  	s10 =	sld [smem:$0x3FB5]  }
0x39: {  	_ = 	snop;
	(pc) =	sbr.ind lr, $3  }
0x3a: {  	_ = 	snop  }
0x3b: {  	_ = 	snop  }
0x3c: {  	p2 =	seq.s32 s10, $0x1;
	s10 =	sld [smem:$0x3FB4]  }
0x3d: {  	_ =	shalt  }
0x3e: {  	_ =	shalt  }
0x3f: {  	_ =	shalt  }
0x40: {  	_ =	shalt  }
0x41: {  	_ =	shalt  }
0x42: {  	_ =	shalt  }
0x43: {  	_ =	shalt  }
0x44: {  	_ =	shalt  }
0x45: {  	_ =	shalt  }
0x46: {  	_ =	shalt  }
0x47: {  	_ =	shalt  }
0x48: {  	_ =	shalt  }
0x49: {  	_ =	shalt  }
0x4a: {  	_ =	shalt  }
0x4b: {  	_ =	shalt  }
0x4c: {  	_ =	shalt  }
0x4d: {  	_ =	shalt  }
0x4e: {  	_ =	shalt  }
0x4f: {  	_ =	shalt  }
0x50: {  	_ =	shalt  }
0x51: {  	_ =	shalt  }
0x52: {  	_ =	shalt  }
0x53: {  	_ =	shalt  }
0x54: {  	_ =	shalt  }
0x55: {  	_ =	shalt  }
0x56: {  	_ =	shalt  }
0x57: {  	_ =	shalt  }
0x58: {  	_ =	shalt  }
0x59: {  	_ =	shalt  }
0x5a: {  	_ =	shalt  }
0x5b: {  	_ =	shalt  }
0x5c: {  	_ =	shalt  }
0x5d: {  	_ =	shalt  }
0x5e: {  	_ =	shalt  }
0x5f: {  	_ =	shalt  }
0x60: {  	_ =	shalt  }
0x61: {  	_ =	shalt  }
0x62: {  	_ =	shalt  }
0x63: {  	_ =	shalt  }
0x64: {  	_ =	shalt  }
0x65: {  	_ =	shalt  }
0x66: {  	_ =	shalt  }
0x67: {  	_ =	shalt  }
0x68: {  	_ =	shalt  }
0x69: {  	_ =	shalt  }
0x6a: {  	_ =	shalt  }
0x6b: {  	_ =	shalt  }
0x6c: {  	_ =	shalt  }
0x6d: {  	_ =	shalt  }
0x6e: {  	_ =	shalt  }
0x6f: {  	_ =	shalt  }
0x70: {  	_ =	shalt  }
0x71: {  	_ =	shalt  }
0x72: {  	_ =	shalt  }
0x73: {  	_ =	shalt  }
0x74: {  	_ =	shalt  }
0x75: {  	_ =	shalt  }
0x76: {  	_ =	shalt  }
0x77: {  	_ =	shalt  }
0x78: {  	_ =	shalt  }
0x79: {  	_ =	shalt  }
0x7a: {  	_ =	shalt  }
0x7b: {  	_ =	shalt  }
0x7c: {  	_ =	shalt  }
0x7d: {  	_ =	shalt  }
0x7e: {  	_ =	shalt  }
0x7f: {  	_ =	shalt  }
0x80: {  	_ =	shalt  }
0x81: {  	_ =	shalt  }
0x82: {  	_ =	shalt  }
0x83: {  	_ =	shalt  }
0x84: {  	_ =	shalt  }
0x85: {  	_ =	shalt  }
0x86: {  	_ =	shalt  }
0x87: {  	_ =	shalt  }
.Lfunc_end0:
.L_simem_size_0:
called_computation.1_lowered:
.L_overlay_start_0:
0x88: {  	s2 =	sld [smem:$0x3FD9]  }
0x89: {  	s3 =	sld [smem:$0x3FFE];
	_ =	sdelay $0x1  }
0x8a: {  	s1 =	srdreg.scid  }
0x8b: {  	s0 =	sand.u32 $0x1, s1  }
0x8c: {  	s17 =	sshll.u32 s0, $0xA;
	s2 =	sadd.s32 s3, s2  }
0x8d: {  	s2 =	sadd.s32 s2, s17  }
0x8e: {  	[smem:$0x3FC0] =	sst s2  }
0x8f: {  	_ = 	snop  }
0x90: {  	s2 =	sld [smem:$0x3FD0];
	(tm) =	ssettm $0x1  }
0x91: {  	s18 =	sld [smem:$0x3FFB];
	_ =	sdelay $0x3  }
0x92: {  	_ =	strace s18  }
0x93: {  	s3 =	sld [smem:$0x3FFC];
	_ =	sdelay $0x3  }
0x94: {  	_ =	strace s3  }
0x95: {  	s3 =	sld [smem:$0x3FFD];
	_ =	sdelay $0x3  }
0x96: {  	_ =	strace s3  }
0x97: {  	_ =	strace $0x8FFFFFFF  }
0x98: {  	s19 =	sld [smem:$0x3FDB];
	_ =	sdelay $0x1  }
0x99: {  	s4 =	simm.s32 $_scs_section_size  }
0x9a: {  	s5 =	simm.s32 $_size__tile_overlayer_lowered;
	s6 =	simm.s32 $_tile_overlayer_lowered  }
0x9b: {  	s22 =	simm.s32 $0x1BFF;
	s21 =	sshll.u32 s6, $0x1;
	s3 =	sadd.s32 s4, s19  }
0x9c: {  	s7 =	simm.s32 $0x0;
	s20 =	sshll.u32 s5, $0x1;
	s5 =	sadd.s32 s21, s3  }
0x9d: {  	[timem:s7], [sflag:s22] =	dma.local [hbm:s5], s20  }
0x9e: {  	_ =	swait.ge [sflag:s22], s20  }
0x9f: {  	s4 =	ssub.s32 $0x0, s20;
	[sflag:s22] =	ssyncset.done $0x0  }
0xa0: {  	[sflag:s22] =	ssyncadd.s32 s4;
	_ =	sdelay $0x1  }
0xa1: {  	s23 =	simm.s32 $0x1B8B  }
0xa2: {  	_ =	swait.ge [sflag:s23], $0x1  }
0xa3: {  	[sflag:s23] =	ssyncset.done $0x0  }
0xa4: {  	s25 =	simm.s32 $0x1B8E;
	s24 =	sld [smem:$0x3FFE];
	[sflag:s23] =	ssyncadd.s32 $0xFFFFFFFF  }
0xa5: {  	s26 =	simm.s32 $execute0_lowered;
	[smem:$0x3FD2] =	sst s25  }
0xa6: {  	s5 =	sshll.u32 s26, $0x1;
	_ =	strace $0x80000049;
	[dreg:$0x1] =	wrdreg $0xFFFFFFFF  }
0xa7: {  	s28 =	simm.s32 $_size_execute0_lowered;
	s3 =	sadd.s32 s3, s5;
	[dreg:$0x0] =	wrdreg $0x0  }
0xa8: {  	s5 =	sshll.u32 s28, $0x1;
	[dreg:$0x2] =	wrdreg s3  }
0xa9: {  	[dreg:$0x3] =	wrdreg s5  }
0xaa: {  	[dreg:$0x4] =	wrdreg $0xC0  }
0xab: {  	_ =	task [dreg:s7], $0x5FFFF  }
0xac: {  	[dreg:$0x1] =	wrdreg $0xFFFFFFFF  }
0xad: {  	[dreg:$0x0] =	wrdreg $0x60  }
0xae: {  	[dreg:$0x2] =	wrdreg s24  }
0xaf: {  	[dreg:$0x3] =	wrdreg s2  }
0xb0: {  	[dreg:$0x4] =	wrdreg $0x29000  }
0xb1: {  	[dreg:$0x5] =	wrdreg $0x9  }
0xb2: {  	_ =	task.clear_ibuf [dreg:s7], $0x6FFFF;
	_ =	strace $0x90000049  }
0xb3: {  	s29 =	simm.s32 $0x9;
	_ =	strace $0x8000004B  }
0xb4: {  	_ =	swait.ge [sflag:s29], $0x1  }
0xb5: {  	[sflag:s29] =	ssyncadd.s32 $0xFFFFFFFF  }
0xb6: {  	_ =	strace $0x9000004B  }
0xb7: {  	_ =	sfence  }
0xb8: {  	s30 =	sld [smem:$0x0];
	_ =	sdelay $0x2  }
0xb9: {  	s31 =	sshll.u32 s1, $0xD;
	s1 =	sshrl.u32 s1, $0x2  }
0xba: {  	s3 =	sand.u32 $0x4000, s31;
	s1 =	sadd.s32 s1, s30  }
0xbb: {  	s0 =	sor.u32 s3, s0;
	s1 =	sshll.u32 s1, $0x11  }
0xbc: {  	s0 =	sor.u32 s1, s0  }
0xbd: {  	s0 =	sadd.s32 $0x8F2B, s0  }
0xbe: {  	[sflag:s0] =	ssyncadd.remote.s32 $0x1  }
0xbf: {  	_ =	sfence.sel $0xFFFF  }
0xc0: {  	[dreg:$0x0] =	wrdreg $0xFFFFFFFF;
	(pc) =	sbr.abs _section_cstart, $3  }
0xc1: {  	[dreg:$0x1] =	wrdreg $0xFFFFFFFF  }
0xc2: {  	_ =	task.clear_ibuf [dreg:s7], $0x2FFFF;
	_ =	strace $0x9FFFFFFF  }
0xc3: {  	(tm) =	ssettm $0x7FFFFFFF  }
tec
execute0_lowered:
.L_overlay_start_1:
0x0: {  	(tag) =	ssettag $0x1  }
0x1: {  	s5 =	rddreg [dreg:$0x0]  }
0x2: {  	s0 =	srdreg.scid;
	s10 =	rddreg [dreg:$0x1]  }
0x3: {  	s2 =	rddreg [dreg:$0x2];
	s6 =	sand.u32 $0x1, s0  }
0x4: {  	s0 =	stileid.u32;
	s4 =	smul.u32 $0x27100, s6  }
0x5: {  	s1 =	rddreg [dreg:$0x3];
	s3 =	simm.s32 $0x0;
	s7 =	smul.u32 $0x2710, s0  }
0x6: {  	s15 =	simm.s32 $0x100;
	s16 =	simm.s32 $0x1;
	s28 =	smul.u32 $0x13C00, s0  }
0x7: {  	s17 =	simm.s32 $0x0;
	[smem:$0x7FF] =	sst s3;
	s8 =	smul.u32 $0x13C000, s6  }
0x8: {  	_ =	strace $0x8000004A;
	s6 =	ssub.s32 $0x2, s6;
	s29 =	smul.u32 $0x4F000, s0  }
0x9: {  	s31 =	sshll.u32 s0, $0x6;
	s13 =	sshrl.u32 s6, $0x1;
	s4 =	sadd.s32 s7, s4  }
0xa: {  	s12 =	sshrl.u32 s28, $0x3;
	s7 =	sadd.s32 s28, s8;
	s13 =	ssub.s32 s6, s13  }
0xb: {  	s30 =	sshrl.u32 s29, $0x2;
	s6 =	sor.u32 $0x1C02, s31;
	s11 =	sshrl.u32 s4, $0x3  }
0xc: {  	s4 =	sadd.s32 $0x34000, s5;
	s12 =	sadd.s32 s12, s5;
	s7 =	sshrl.u32 s7, $0x3  }
0xd: {  	s14 =	sadd.s32 s30, s2;
	s8 =	smax.u32 s13, $0x1;
	s13 =	simm.s32 $0x80  }
0xe: {  	s9 =	sadd.s32 s11, s5;
	s7 =	sadd.s32 s7, s5;
	s5 =	sadd.s32 $0xC800, s12  }
0xf: {  	s10 =	sadd.s32 s11, s10;
	s11 =	sshrl.u32 s14, $0x3;
	s12 =	simm.s32 $0x2  }
0x10: {  	s14 =	simm.s32 $0x50;
	s7 =	sadd.s32 $0x5B200, s7;
	s9 =	sadd.s32 $0x2A00, s9  }
.LBB2_1:
0x11: {  	[spmem:s11], [sflag:s6] =	dma.local [hbm:s5], $0x2780  }
0x12: {  	_ =	swait.ge [sflag:s12], $0x2780  }
0x13: {  	[sflag:s12] =	ssyncset.done $0x0  }
0x14: {  	[sflag:s12] =	ssyncadd.s32 $0xFFFFD880  }
0x15: {  	s18 =	sadd.s32 $0x0, s10;
	[bflag:$0x0] =	sbarrier.arrive $0xFFFF  }
0x16: {  	[tilespmem:s3], [sflag:$0x2] =	stream.linear.gather [hbm4b:s18+s3], $0x50, $0x38;
	[tilespmem:$0x16500] =	vst v63  }
0x17: {  	_ =	swait.ge [sflag:s12], $0x50  }
0x18: {  	[sflag:s12] =	ssyncset.done $0x0  }
0x19: {  	s31 =	sadd.s32 $0x0, s9;
	[sflag:s12] =	ssyncadd.s32 $0xFFFFFFB0  }
0x1a: {  	[tilespmem:s13], [sflag:$0x2] =	stream.linear.gather [hbm4b:s31+s3], $0x50, $0x38;
	[tilespmem:$0x16500] =	vst v63  }
0x1b: {  	_ =	swait.ge [sflag:s12], $0x50  }
0x1c: {  	[sflag:s12] =	ssyncset.done $0x0  }
0x1d: {  	[sflag:s12] =	ssyncadd.s32 $0xFFFFFFB0  }
0x1e: {  	[tilespmem:s15], [sflag:$0x1] =	stream.indirect.gather [hbm4b:s4+s14], $0x80, s3, s14, $0xb8;
	[tilespmem:$0x16500] =	vst v63  }
0x1f: {  	_ =	swait.ge [sflag:s16], $0x2800  }
0x20: {  	[sflag:s16] =	ssyncset.done $0x0  }
0x21: {  	[sflag:s16] =	ssyncadd.s32 $0xFFFFD800  }
0x22: {  	[spmem:s2] =	stream.indirect.scatter.add.f32 [tilespmem:s15], [sflag:$0x2], $0x80, s13, s14, $0xb8;
	[tilespmem:$0x16500] =	vst v63  }
0x23: {  	_ =	swait.ge [sflag:s12], $0x2800  }
0x24: {  	s19 =	simm.s32 $0x14;
	s18 =	simm.s32 $0xA;
	[sflag:s12] =	ssyncset.done $0x0  }
.LBB2_2:
0x25: {  	s20 =	sadd.s32 s18, s10  }
0x26: {  	[sflag:s12] =	ssyncadd.s32 $0xFFFFD800;
	s21 =	smov.u32 s19;
	s22 =	sadd.s32 $0xA, s19  }
0x27: {  	[tilespmem:s3], [sflag:$0x2] =	stream.linear.gather [hbm4b:s20+s3], $0x50, $0x38;
	[tilespmem:$0x16500] =	vst v63  }
0x28: {  	p0 =	sne.s32 s19, $0x4D8;
	_ =	swait.ge [sflag:s12], $0x50  }
0x29: {  	[sflag:s12] =	ssyncset.done $0x0  }
0x2a: {  	s19 =	sadd.s32 s18, s9;
	s18 =	smov.u32 s21;
	[sflag:s12] =	ssyncadd.s32 $0xFFFFFFB0  }
0x2b: {  	[tilespmem:s13], [sflag:$0x2] =	stream.linear.gather [hbm4b:s19+s3], $0x50, $0x38;
	[tilespmem:$0x16500] =	vst v63  }
0x2c: {  	_ =	swait.ge [sflag:s12], $0x50  }
0x2d: {  	[sflag:s12] =	ssyncset.done $0x0  }
0x2e: {  	[sflag:s12] =	ssyncadd.s32 $0xFFFFFFB0  }
0x2f: {  	[tilespmem:s15], [sflag:$0x1] =	stream.indirect.gather [hbm4b:s4+s14], $0x80, s3, s14, $0xb8;
	[tilespmem:$0x16500] =	vst v63  }
0x30: {  	_ =	swait.ge [sflag:s16], $0x2800  }
.Ltmp0:
0x31: {  	[sflag:s16] =	ssyncset.done $0x0;
	(pc) =	sbr.rel @p0 .LBB2_2-.Ltmp0, $4  }
0x32: {  	[sflag:s16] =	ssyncadd.s32 $0xFFFFD800  }
0x33: {  	[spmem:s2] =	stream.indirect.scatter.add.f32 [tilespmem:s15], [sflag:$0x2], $0x80, s13, s14, $0xb8;
	[tilespmem:$0x16500] =	vst v63  }
0x34: {  	_ =	swait.ge [sflag:s12], $0x2800  }
0x35: {  	s19 =	smov.u32 s22;
	[sflag:s12] =	ssyncset.done $0x0  }
0x36: {  	s19 =	sadd.s32 s18, s10;
	[sflag:s12] =	ssyncadd.s32 $0xFFFFD800  }
0x37: {  	[tilespmem:s3], [sflag:$0x2] =	stream.linear.gather [hbm4b:s19+s3], $0x50, $0x38;
	[tilespmem:$0x16500] =	vst v63  }
0x38: {  	_ =	swait.ge [sflag:s12], $0x50  }
0x39: {  	[sflag:s12] =	ssyncset.done $0x0  }
0x3a: {  	s31 =	sadd.s32 s18, s9;
	[sflag:s12] =	ssyncadd.s32 $0xFFFFFFB0  }
0x3b: {  	[tilespmem:s13], [sflag:$0x2] =	stream.linear.gather [hbm4b:s31+s3], $0x50, $0x38;
	[tilespmem:$0x16500] =	vst v63  }
0x3c: {  	_ =	swait.ge [sflag:s12], $0x50  }
0x3d: {  	[sflag:s12] =	ssyncset.done $0x0  }
0x3e: {  	[sflag:s12] =	ssyncadd.s32 $0xFFFFFFB0  }
0x3f: {  	[tilespmem:s15], [sflag:$0x1] =	stream.indirect.gather [hbm4b:s4+s14], $0x80, s3, s14, $0xb8;
	[tilespmem:$0x16500] =	vst v63  }
0x40: {  	_ =	swait.ge [sflag:s16], $0x2800  }
0x41: {  	[sflag:s16] =	ssyncset.done $0x0  }
0x42: {  	[sflag:s16] =	ssyncadd.s32 $0xFFFFD800  }
0x43: {  	[spmem:s2] =	stream.indirect.scatter.add.f32 [tilespmem:s15], [sflag:$0x2], $0x80, s13, s14, $0xb8;
	[tilespmem:$0x16500] =	vst v63  }
0x44: {  	_ =	swait.ge [sflag:s12], $0x2800  }
0x45: {  	s17 =	sadd.s32 $0x1, s17;
	[sflag:s12] =	ssyncset.done $0x0  }
0x46: {  	p0 =	sne.s32 s17, s8;
	[sflag:s12] =	ssyncadd.s32 $0xFFFFD800  }
.Ltmp1:
0x47: {  	[bflag:$0x0] =	sbarrier.arrive $0xFFFF;
	(pc) =	sbr.rel @p0 .LBB2_1-.Ltmp1, $4  }
0x48: {  	[hbm:s7], [sflag:s6] =	dma.local [spmem:s11], $0x2780  }
0x49: {  	_ =	swait.ge [sflag:s12], $0x2780  }
0x4a: {  	[sflag:s12] =	ssyncset.done $0x0  }
0x4b: {  	[sflag:s12] =	ssyncadd.s32 $0xFFFFD880  }
0x4c: {  	_ =	sfence.sel $0x180000  }
0x4d: {  	[bflag:$0x0] =	sbarrier.arrive $0xFFFF  }
0x4e: {  	p0 =	sne.s32 s0, $0x0;
	_ =	strace $0x9000004A  }
0x4f: {  	s0 =	sadd.s32 @!p0 $0x100000, s1;
	[bflag:$0x2] =	sbarrier.arrive $0xFFFF  }
0x50: {  	[sflag:s0] =	ssyncadd.tile.s32 @!p0 $0x1;
	_ =	shalt  }
.Lfunc_end2:
_tile_overlayer_lowered:
.L_overlay_start_2:
0x51: {  	(tag) =	ssettag $0x2  }
0x52: {  	s0 =	rddreg [dreg:$0x0];
	s2 =	stileid.u32  }
0x53: {  	s1 =	rddreg [dreg:$0x1];
	p0 =	sne.s32 s2, $0x0  }
0x54: {  	s3 =	rddreg [dreg:$0x2];
	[bflag:$0x3] =	sbarrier.arrive $0xFFFF;
	s2 =	simm.s32 @!p0 $0x1C02  }
0x55: {  	[timem:s3], [sflag:s2] =	dma.local @!p0 [hbm:s0], s1  }
0x56: {  	s0 =	simm.s32 @!p0 $0x2  }
0x57: {  	_ =	swait.ge @!p0 [sflag:s0], s1  }
0x58: {  	s1 =	ssub.s32 @!p0 $0x0, s1;
	[sflag:s0] =	ssyncset.done @!p0 $0x0  }
0x59: {  	[sflag:s0] =	ssyncadd.s32 @!p0 s1  }
0x5a: {  	[bflag:$0x3] =	sbarrier.arrive $0xFFFF  }
0x5b: {  	_ =	shalt  }

// kernel: kernel.16.cloned.1.call-start
scs
__scs_entry_jumppad:
0x0: {  	(pc) =	sbr.rel $0x88, $3  }
0x1: {  	(tag) =	ssettag $0x0;
	lr =	simm.s32 $0x1  }
0x2: {  	[smem:$0x3F99] =	sst lr;
	_ =	strace $0xD0000000  }
0x3: {  	_ = 	snop  }
0x4: {  	_ = 	snop  }
0x5: {  	_ = 	snop  }
0x6: {  	_ = 	snop  }
0x7: {  	_ = 	snop  }
__scs_overlays_trampoline_lowered:
0x8: {  	[smem:$0x3FA8] =	sst s0  }
0x9: {  	[smem:$0x3FA9] =	sst s1  }
0xa: {  	[smem:$0x3FAA] =	sst s2  }
0xb: {  	[smem:$0x3FAB] =	sst s3  }
0xc: {  	[smem:$0x3FAC] =	sst s4  }
0xd: {  	[smem:$0x3FAD] =	sst s5  }
0xe: {  	[smem:$0x3FAE] =	sst s6  }
0xf: {  	[smem:$0x3FAF] =	sst s7  }
0x10: {  	[smem:$0x3FB0] =	sst s8  }
0x11: {  	[smem:$0x3FB1] =	sst s9;
	s0 =	simm.s32 @!p0 $0x0  }
0x12: {  	s1 =	sld [smem:$0x3F97];
	s0 =	simm.s32 @p0 $0x1  }
0x13: {  	[smem:$0x3FB2] =	sst s0;
	s0 =	simm.s32 @!p1 $0x0  }
0x14: {  	s2 =	sld [smem:$0x3F96];
	s0 =	simm.s32 @p1 $0x1  }
0x15: {  	[smem:$0x3FB3] =	sst s0;
	s0 =	simm.s32 @!p2 $0x0  }
0x16: {  	s3 =	sld [smem:$0x3FDB];
	s0 =	simm.s32 @p2 $0x1  }
0x17: {  	s4 =	simm.s32 $0x1BF5;
	[smem:$0x3FB5] =	sst s0  }
0x18: {  	s0 =	sld [smem:$0x3F98];
	_ =	swait.ge [sflag:s4], $0x0  }
0x19: {  	s7 =	sld [smem:$0x3F99]  }
0x1a: {  	s8 =	sadd.s32 $0xFFFFE003, lr  }
0x1b: {  	s9 =	sadd.s32 $0xFFFFFEF7, lr;
	s5 =	simm.s32 $0xFFFFFFFF;
	p2 =	slt.u32 s8, $0xFFFFF086  }
0x1c: {  	p1 =	slt.u32 s9, $0xF7A;
	s5 =	simm.s32 @!p2 $0x0  }
0x1d: {  	s5 =	simm.s32 @p1 $0x1;
	p0 =	seq.s32 s7, s2  }
0x1e: {  	s7 =	smul.u32 @!p0 $0xF7A, s2;
	p2 =	seq.s32 @!p0 s5, $0x0  }
0x1f: {  	s9 =	smul.u32 $0xF7A, s1;
	s8 =	simm.s32 @!p0 $0x1BF5;
	p2 =	por !p2, p0  }
0x20: {  	[sflag:s8] =	ssyncset.s32 @!p0 $0xFFFFF086;
	s6 =	sadd.s32 @!p0 s3, s7;
	s7 =	simm.s32 @!p0 $0x108  }
0x21: {  	s3 =	sadd.s32 s3, s9;
	s6 =	sadd.s32 @!p0 $0x88, s6;
	s7 =	simm.s32 @p2 $0x1082  }
0x22: {  	[simem:s7], [sflag:s8] =	dma.local @!p0 [hbm:s6], $0xF7A  }
0x23: {  	s9 =	sor.u32 $0xD0000000, s2;
	s6 =	simm.s32 $0x108;
	_ =	swait.ge @!p0 [sflag:s8], $0x0  }
0x24: {  	s3 =	sadd.s32 $0x88, s3;
	s6 =	simm.s32 @!p1 $0x1082;
	[sflag:s4] =	ssyncset.s32 $0xFFFFF086  }
0x25: {  	[simem:s6], [sflag:s4] =	dma.local [hbm:s3], $0xF7A  }
0x26: {  	[smem:$0x3F99] =	sst s1;
	(tag) =	ssettag s2;
	_ =	strace s9  }
0x27: {  	s1 =	sld [smem:$0x3FA9]  }
0x28: {  	s2 =	sld [smem:$0x3FAA]  }
0x29: {  	s4 =	sld [smem:$0x3FAC]  }
0x2a: {  	p0 =	seq.s32 s5, $0x0;
	s5 =	sld [smem:$0x3FAD]  }
0x2b: {  	s6 =	sld [smem:$0x3FAE]  }
0x2c: {  	s7 =	sld [smem:$0x3FAF]  }
0x2d: {  	s3 =	simm.s32 $0x108;
	s8 =	sld [smem:$0x3FB0]  }
0x2e: {  	s3 =	simm.s32 @!p0 $0x1082;
	s9 =	sld [smem:$0x3FB1]  }
0x2f: {  	lr =	sadd.s32 s0, s3;
	s0 =	sld [smem:$0x3FA8]  }
0x30: {  	s3 =	sld [smem:$0x3FAB]  }
0x31: {  	[smem:$0x3FB4] =	sst s10  }
0x32: {  	s10 =	sld [smem:$0x3FB2];
	_ =	sdelay $0x3  }
0x33: {  	p0 =	seq.s32 s10, $0x1;
	s10 =	sld [smem:$0x3FB4];
	_ =	sdelay $0x3  }
0x34: {  	[smem:$0x3FB4] =	sst s10  }
0x35: {  	s10 =	sld [smem:$0x3FB3];
	_ =	sdelay $0x3  }
0x36: {  	p1 =	seq.s32 s10, $0x1;
	s10 =	sld [smem:$0x3FB4];
	_ =	sdelay $0x3  }
0x37: {  	[smem:$0x3FB4] =	sst s10  }
0x38: {  	s10 =	sld [smem:$0x3FB5]  }
0x39: {  	_ = 	snop;
	(pc) =	sbr.ind lr, $3  }
0x3a: {  	_ = 	snop  }
0x3b: {  	_ = 	snop  }
0x3c: {  	p2 =	seq.s32 s10, $0x1;
	s10 =	sld [smem:$0x3FB4]  }
0x3d: {  	_ =	shalt  }
0x3e: {  	_ =	shalt  }
0x3f: {  	_ =	shalt  }
0x40: {  	_ =	shalt  }
0x41: {  	_ =	shalt  }
0x42: {  	_ =	shalt  }
0x43: {  	_ =	shalt  }
0x44: {  	_ =	shalt  }
0x45: {  	_ =	shalt  }
0x46: {  	_ =	shalt  }
0x47: {  	_ =	shalt  }
0x48: {  	_ =	shalt  }
0x49: {  	_ =	shalt  }
0x4a: {  	_ =	shalt  }
0x4b: {  	_ =	shalt  }
0x4c: {  	_ =	shalt  }
0x4d: {  	_ =	shalt  }
0x4e: {  	_ =	shalt  }
0x4f: {  	_ =	shalt  }
0x50: {  	_ =	shalt  }
0x51: {  	_ =	shalt  }
0x52: {  	_ =	shalt  }
0x53: {  	_ =	shalt  }
0x54: {  	_ =	shalt  }
0x55: {  	_ =	shalt  }
0x56: {  	_ =	shalt  }
0x57: {  	_ =	shalt  }
0x58: {  	_ =	shalt  }
0x59: {  	_ =	shalt  }
0x5a: {  	_ =	shalt  }
0x5b: {  	_ =	shalt  }
0x5c: {  	_ =	shalt  }
0x5d: {  	_ =	shalt  }
0x5e: {  	_ =	shalt  }
0x5f: {  	_ =	shalt  }
0x60: {  	_ =	shalt  }
0x61: {  	_ =	shalt  }
0x62: {  	_ =	shalt  }
0x63: {  	_ =	shalt  }
0x64: {  	_ =	shalt  }
0x65: {  	_ =	shalt  }
0x66: {  	_ =	shalt  }
0x67: {  	_ =	shalt  }
0x68: {  	_ =	shalt  }
0x69: {  	_ =	shalt  }
0x6a: {  	_ =	shalt  }
0x6b: {  	_ =	shalt  }
0x6c: {  	_ =	shalt  }
0x6d: {  	_ =	shalt  }
0x6e: {  	_ =	shalt  }
0x6f: {  	_ =	shalt  }
0x70: {  	_ =	shalt  }
0x71: {  	_ =	shalt  }
0x72: {  	_ =	shalt  }
0x73: {  	_ =	shalt  }
0x74: {  	_ =	shalt  }
0x75: {  	_ =	shalt  }
0x76: {  	_ =	shalt  }
0x77: {  	_ =	shalt  }
0x78: {  	_ =	shalt  }
0x79: {  	_ =	shalt  }
0x7a: {  	_ =	shalt  }
0x7b: {  	_ =	shalt  }
0x7c: {  	_ =	shalt  }
0x7d: {  	_ =	shalt  }
0x7e: {  	_ =	shalt  }
0x7f: {  	_ =	shalt  }
0x80: {  	_ =	shalt  }
0x81: {  	_ =	shalt  }
0x82: {  	_ =	shalt  }
0x83: {  	_ =	shalt  }
0x84: {  	_ =	shalt  }
0x85: {  	_ =	shalt  }
0x86: {  	_ =	shalt  }
0x87: {  	_ =	shalt  }
.Lfunc_end0:
.L_simem_size_0:
called_computation.2_lowered:
.L_overlay_start_0:
0x88: {  	s2 =	sld [smem:$0x3FD9]  }
0x89: {  	s3 =	sld [smem:$0x3FFE];
	_ =	sdelay $0x1  }
0x8a: {  	s1 =	srdreg.scid  }
0x8b: {  	s0 =	sand.u32 $0x1, s1  }
0x8c: {  	s17 =	sshll.u32 s0, $0xA;
	s2 =	sadd.s32 s3, s2  }
0x8d: {  	s2 =	sadd.s32 s2, s17  }
0x8e: {  	[smem:$0x3FC0] =	sst s2  }
0x8f: {  	_ = 	snop  }
0x90: {  	s2 =	sld [smem:$0x3FD0];
	(tm) =	ssettm $0x1  }
0x91: {  	s18 =	sld [smem:$0x3FFB];
	_ =	sdelay $0x3  }
0x92: {  	_ =	strace s18  }
0x93: {  	s3 =	sld [smem:$0x3FFC];
	_ =	sdelay $0x3  }
0x94: {  	_ =	strace s3  }
0x95: {  	s3 =	sld [smem:$0x3FFD];
	_ =	sdelay $0x3  }
0x96: {  	_ =	strace s3  }
0x97: {  	_ =	strace $0x8FFFFFFF  }
0x98: {  	s19 =	sld [smem:$0x3FDB];
	_ =	sdelay $0x1  }
0x99: {  	s4 =	simm.s32 $_scs_section_size  }
0x9a: {  	s5 =	simm.s32 $_size__tile_overlayer_lowered;
	s6 =	simm.s32 $_tile_overlayer_lowered  }
0x9b: {  	s22 =	simm.s32 $0x1BFF;
	s21 =	sshll.u32 s6, $0x1;
	s3 =	sadd.s32 s4, s19  }
0x9c: {  	s7 =	simm.s32 $0x0;
	s20 =	sshll.u32 s5, $0x1;
	s5 =	sadd.s32 s21, s3  }
0x9d: {  	[timem:s7], [sflag:s22] =	dma.local [hbm:s5], s20  }
0x9e: {  	_ =	swait.ge [sflag:s22], s20  }
0x9f: {  	s4 =	ssub.s32 $0x0, s20;
	[sflag:s22] =	ssyncset.done $0x0  }
0xa0: {  	[sflag:s22] =	ssyncadd.s32 s4;
	_ =	sdelay $0x1  }
0xa1: {  	s23 =	simm.s32 $0x1B8B  }
0xa2: {  	_ =	swait.ge [sflag:s23], $0x1  }
0xa3: {  	[sflag:s23] =	ssyncset.done $0x0  }
0xa4: {  	s25 =	simm.s32 $0x1B8E;
	s24 =	sld [smem:$0x3FFE];
	[sflag:s23] =	ssyncadd.s32 $0xFFFFFFFF  }
0xa5: {  	s26 =	simm.s32 $execute0_lowered;
	[smem:$0x3FD2] =	sst s25  }
0xa6: {  	s5 =	sshll.u32 s26, $0x1;
	_ =	strace $0x8000004C;
	[dreg:$0x1] =	wrdreg $0xFFFFFFFF  }
0xa7: {  	s28 =	simm.s32 $_size_execute0_lowered;
	s3 =	sadd.s32 s3, s5;
	[dreg:$0x0] =	wrdreg $0x0  }
0xa8: {  	s5 =	sshll.u32 s28, $0x1;
	[dreg:$0x2] =	wrdreg s3  }
0xa9: {  	[dreg:$0x3] =	wrdreg s5  }
0xaa: {  	[dreg:$0x4] =	wrdreg $0xC0  }
0xab: {  	_ =	task [dreg:s7], $0x5FFFF  }
0xac: {  	[dreg:$0x1] =	wrdreg $0xFFFFFFFF  }
0xad: {  	[dreg:$0x0] =	wrdreg $0x60  }
0xae: {  	[dreg:$0x2] =	wrdreg s24  }
0xaf: {  	[dreg:$0x3] =	wrdreg s2  }
0xb0: {  	[dreg:$0x4] =	wrdreg $0x29000  }
0xb1: {  	[dreg:$0x5] =	wrdreg $0x9  }
0xb2: {  	_ =	task.clear_ibuf [dreg:s7], $0x6FFFF;
	_ =	strace $0x9000004C  }
0xb3: {  	s29 =	simm.s32 $0x9;
	_ =	strace $0x8000004E  }
0xb4: {  	_ =	swait.ge [sflag:s29], $0x1  }
0xb5: {  	[sflag:s29] =	ssyncadd.s32 $0xFFFFFFFF  }
0xb6: {  	_ =	strace $0x9000004E  }
0xb7: {  	_ =	sfence  }
0xb8: {  	s30 =	sld [smem:$0x0];
	_ =	sdelay $0x2  }
0xb9: {  	s31 =	sshll.u32 s1, $0xD;
	s1 =	sshrl.u32 s1, $0x2  }
0xba: {  	s3 =	sand.u32 $0x4000, s31;
	s1 =	sadd.s32 s1, s30  }
0xbb: {  	s0 =	sor.u32 s3, s0;
	s1 =	sshll.u32 s1, $0x11  }
0xbc: {  	s0 =	sor.u32 s1, s0  }
0xbd: {  	s0 =	sadd.s32 $0x8F2B, s0  }
0xbe: {  	[sflag:s0] =	ssyncadd.remote.s32 $0x1  }
0xbf: {  	_ =	sfence.sel $0xFFFF  }
0xc0: {  	[dreg:$0x0] =	wrdreg $0xFFFFFFFF;
	(pc) =	sbr.abs _section_cstart, $3  }
0xc1: {  	[dreg:$0x1] =	wrdreg $0xFFFFFFFF  }
0xc2: {  	_ =	task.clear_ibuf [dreg:s7], $0x2FFFF;
	_ =	strace $0x9FFFFFFF  }
0xc3: {  	(tm) =	ssettm $0x7FFFFFFF  }
tec
execute0_lowered:
.L_overlay_start_1:
0x0: {  	(tag) =	ssettag $0x1  }
0x1: {  	s5 =	rddreg [dreg:$0x0]  }
0x2: {  	s0 =	srdreg.scid;
	s10 =	rddreg [dreg:$0x1]  }
0x3: {  	s2 =	rddreg [dreg:$0x2];
	s6 =	sand.u32 $0x1, s0  }
0x4: {  	s0 =	stileid.u32;
	s4 =	smul.u32 $0x27100, s6  }
0x5: {  	s1 =	rddreg [dreg:$0x3];
	s3 =	simm.s32 $0x0;
	s7 =	smul.u32 $0x2710, s0  }
0x6: {  	s15 =	simm.s32 $0x100;
	s16 =	simm.s32 $0x1;
	s28 =	smul.u32 $0x13C00, s0  }
0x7: {  	s17 =	simm.s32 $0x0;
	[smem:$0x7FF] =	sst s3;
	s8 =	smul.u32 $0x13C000, s6  }
0x8: {  	_ =	strace $0x8000004D;
	s6 =	ssub.s32 $0x2, s6;
	s29 =	smul.u32 $0x4F000, s0  }
0x9: {  	s31 =	sshll.u32 s0, $0x6;
	s13 =	sshrl.u32 s6, $0x1;
	s4 =	sadd.s32 s7, s4  }
0xa: {  	s12 =	sshrl.u32 s28, $0x3;
	s7 =	sadd.s32 s28, s8;
	s13 =	ssub.s32 s6, s13  }
0xb: {  	s30 =	sshrl.u32 s29, $0x2;
	s6 =	sor.u32 $0x1C02, s31;
	s11 =	sshrl.u32 s4, $0x3  }
0xc: {  	s4 =	sadd.s32 $0x34000, s5;
	s12 =	sadd.s32 s12, s5;
	s7 =	sshrl.u32 s7, $0x3  }
0xd: {  	s14 =	sadd.s32 s30, s2;
	s8 =	smax.u32 s13, $0x1;
	s13 =	simm.s32 $0x80  }
0xe: {  	s9 =	sadd.s32 s11, s5;
	s7 =	sadd.s32 s7, s5;
	s5 =	sadd.s32 $0xC800, s12  }
0xf: {  	s10 =	sadd.s32 s11, s10;
	s11 =	sshrl.u32 s14, $0x3;
	s12 =	simm.s32 $0x2  }
0x10: {  	s14 =	simm.s32 $0x50;
	s7 =	sadd.s32 $0x5B200, s7;
	s9 =	sadd.s32 $0x2A00, s9  }
.LBB2_1:
0x11: {  	[spmem:s11], [sflag:s6] =	dma.local [hbm:s5], $0x2780  }
0x12: {  	_ =	swait.ge [sflag:s12], $0x2780  }
0x13: {  	[sflag:s12] =	ssyncset.done $0x0  }
0x14: {  	[sflag:s12] =	ssyncadd.s32 $0xFFFFD880  }
0x15: {  	s18 =	sadd.s32 $0x0, s10;
	[bflag:$0x0] =	sbarrier.arrive $0xFFFF  }
0x16: {  	[tilespmem:s3], [sflag:$0x2] =	stream.linear.gather [hbm4b:s18+s3], $0x50, $0x38;
	[tilespmem:$0x16500] =	vst v63  }
0x17: {  	_ =	swait.ge [sflag:s12], $0x50  }
0x18: {  	[sflag:s12] =	ssyncset.done $0x0  }
0x19: {  	s31 =	sadd.s32 $0x0, s9;
	[sflag:s12] =	ssyncadd.s32 $0xFFFFFFB0  }
0x1a: {  	[tilespmem:s13], [sflag:$0x2] =	stream.linear.gather [hbm4b:s31+s3], $0x50, $0x38;
	[tilespmem:$0x16500] =	vst v63  }
0x1b: {  	_ =	swait.ge [sflag:s12], $0x50  }
0x1c: {  	[sflag:s12] =	ssyncset.done $0x0  }
0x1d: {  	[sflag:s12] =	ssyncadd.s32 $0xFFFFFFB0  }
0x1e: {  	[tilespmem:s15], [sflag:$0x1] =	stream.indirect.gather [hbm4b:s4+s14], $0x80, s3, s14, $0xb8;
	[tilespmem:$0x16500] =	vst v63  }
0x1f: {  	_ =	swait.ge [sflag:s16], $0x2800  }
0x20: {  	[sflag:s16] =	ssyncset.done $0x0  }
0x21: {  	[sflag:s16] =	ssyncadd.s32 $0xFFFFD800  }
0x22: {  	[spmem:s2] =	stream.indirect.scatter.add.f32 [tilespmem:s15], [sflag:$0x2], $0x80, s13, s14, $0xb8;
	[tilespmem:$0x16500] =	vst v63  }
0x23: {  	_ =	swait.ge [sflag:s12], $0x2800  }
0x24: {  	s19 =	simm.s32 $0x14;
	s18 =	simm.s32 $0xA;
	[sflag:s12] =	ssyncset.done $0x0  }
.LBB2_2:
0x25: {  	s20 =	sadd.s32 s18, s10  }
0x26: {  	[sflag:s12] =	ssyncadd.s32 $0xFFFFD800;
	s21 =	smov.u32 s19;
	s22 =	sadd.s32 $0xA, s19  }
0x27: {  	[tilespmem:s3], [sflag:$0x2] =	stream.linear.gather [hbm4b:s20+s3], $0x50, $0x38;
	[tilespmem:$0x16500] =	vst v63  }
0x28: {  	p0 =	sne.s32 s19, $0x4D8;
	_ =	swait.ge [sflag:s12], $0x50  }
0x29: {  	[sflag:s12] =	ssyncset.done $0x0  }
0x2a: {  	s19 =	sadd.s32 s18, s9;
	s18 =	smov.u32 s21;
	[sflag:s12] =	ssyncadd.s32 $0xFFFFFFB0  }
0x2b: {  	[tilespmem:s13], [sflag:$0x2] =	stream.linear.gather [hbm4b:s19+s3], $0x50, $0x38;
	[tilespmem:$0x16500] =	vst v63  }
0x2c: {  	_ =	swait.ge [sflag:s12], $0x50  }
0x2d: {  	[sflag:s12] =	ssyncset.done $0x0  }
0x2e: {  	[sflag:s12] =	ssyncadd.s32 $0xFFFFFFB0  }
0x2f: {  	[tilespmem:s15], [sflag:$0x1] =	stream.indirect.gather [hbm4b:s4+s14], $0x80, s3, s14, $0xb8;
	[tilespmem:$0x16500] =	vst v63  }
0x30: {  	_ =	swait.ge [sflag:s16], $0x2800  }
.Ltmp0:
0x31: {  	[sflag:s16] =	ssyncset.done $0x0;
	(pc) =	sbr.rel @p0 .LBB2_2-.Ltmp0, $4  }
0x32: {  	[sflag:s16] =	ssyncadd.s32 $0xFFFFD800  }
0x33: {  	[spmem:s2] =	stream.indirect.scatter.add.f32 [tilespmem:s15], [sflag:$0x2], $0x80, s13, s14, $0xb8;
	[tilespmem:$0x16500] =	vst v63  }
0x34: {  	_ =	swait.ge [sflag:s12], $0x2800  }
0x35: {  	s19 =	smov.u32 s22;
	[sflag:s12] =	ssyncset.done $0x0  }
0x36: {  	s19 =	sadd.s32 s18, s10;
	[sflag:s12] =	ssyncadd.s32 $0xFFFFD800  }
0x37: {  	[tilespmem:s3], [sflag:$0x2] =	stream.linear.gather [hbm4b:s19+s3], $0x50, $0x38;
	[tilespmem:$0x16500] =	vst v63  }
0x38: {  	_ =	swait.ge [sflag:s12], $0x50  }
0x39: {  	[sflag:s12] =	ssyncset.done $0x0  }
0x3a: {  	s31 =	sadd.s32 s18, s9;
	[sflag:s12] =	ssyncadd.s32 $0xFFFFFFB0  }
0x3b: {  	[tilespmem:s13], [sflag:$0x2] =	stream.linear.gather [hbm4b:s31+s3], $0x50, $0x38;
	[tilespmem:$0x16500] =	vst v63  }
0x3c: {  	_ =	swait.ge [sflag:s12], $0x50  }
0x3d: {  	[sflag:s12] =	ssyncset.done $0x0  }
0x3e: {  	[sflag:s12] =	ssyncadd.s32 $0xFFFFFFB0  }
0x3f: {  	[tilespmem:s15], [sflag:$0x1] =	stream.indirect.gather [hbm4b:s4+s14], $0x80, s3, s14, $0xb8;
	[tilespmem:$0x16500] =	vst v63  }
0x40: {  	_ =	swait.ge [sflag:s16], $0x2800  }
0x41: {  	[sflag:s16] =	ssyncset.done $0x0  }
0x42: {  	[sflag:s16] =	ssyncadd.s32 $0xFFFFD800  }
0x43: {  	[spmem:s2] =	stream.indirect.scatter.add.f32 [tilespmem:s15], [sflag:$0x2], $0x80, s13, s14, $0xb8;
	[tilespmem:$0x16500] =	vst v63  }
0x44: {  	_ =	swait.ge [sflag:s12], $0x2800  }
0x45: {  	s17 =	sadd.s32 $0x1, s17;
	[sflag:s12] =	ssyncset.done $0x0  }
0x46: {  	p0 =	sne.s32 s17, s8;
	[sflag:s12] =	ssyncadd.s32 $0xFFFFD800  }
.Ltmp1:
0x47: {  	[bflag:$0x0] =	sbarrier.arrive $0xFFFF;
	(pc) =	sbr.rel @p0 .LBB2_1-.Ltmp1, $4  }
0x48: {  	[hbm:s7], [sflag:s6] =	dma.local [spmem:s11], $0x2780  }
0x49: {  	_ =	swait.ge [sflag:s12], $0x2780  }
0x4a: {  	[sflag:s12] =	ssyncset.done $0x0  }
0x4b: {  	[sflag:s12] =	ssyncadd.s32 $0xFFFFD880  }
0x4c: {  	_ =	sfence.sel $0x180000  }
0x4d: {  	[bflag:$0x0] =	sbarrier.arrive $0xFFFF  }
0x4e: {  	p0 =	sne.s32 s0, $0x0;
	_ =	strace $0x9000004D  }
0x4f: {  	s0 =	sadd.s32 @!p0 $0x100000, s1;
	[bflag:$0x2] =	sbarrier.arrive $0xFFFF  }
0x50: {  	[sflag:s0] =	ssyncadd.tile.s32 @!p0 $0x1;
	_ =	shalt  }
.Lfunc_end2:
_tile_overlayer_lowered:
.L_overlay_start_2:
0x51: {  	(tag) =	ssettag $0x2  }
0x52: {  	s0 =	rddreg [dreg:$0x0];
	s2 =	stileid.u32  }
0x53: {  	s1 =	rddreg [dreg:$0x1];
	p0 =	sne.s32 s2, $0x0  }
0x54: {  	s3 =	rddreg [dreg:$0x2];
	[bflag:$0x3] =	sbarrier.arrive $0xFFFF;
	s2 =	simm.s32 @!p0 $0x1C02  }
0x55: {  	[timem:s3], [sflag:s2] =	dma.local @!p0 [hbm:s0], s1  }
0x56: {  	s0 =	simm.s32 @!p0 $0x2  }
0x57: {  	_ =	swait.ge @!p0 [sflag:s0], s1  }
0x58: {  	s1 =	ssub.s32 @!p0 $0x0, s1;
	[sflag:s0] =	ssyncset.done @!p0 $0x0  }
0x59: {  	[sflag:s0] =	ssyncadd.s32 @!p0 s1  }
0x5a: {  	[bflag:$0x3] =	sbarrier.arrive $0xFFFF  }
0x5b: {  	_ =	shalt  }

// kernel: kernel.19.cloned.1.call-start
scs
__scs_entry_jumppad:
0x0: {  	(pc) =	sbr.rel $0x88, $3  }
0x1: {  	(tag) =	ssettag $0x0;
	lr =	simm.s32 $0x1  }
0x2: {  	[smem:$0x3F99] =	sst lr;
	_ =	strace $0xD0000000  }
0x3: {  	_ = 	snop  }
0x4: {  	_ = 	snop  }
0x5: {  	_ = 	snop  }
0x6: {  	_ = 	snop  }
0x7: {  	_ = 	snop  }
__scs_overlays_trampoline_lowered:
0x8: {  	[smem:$0x3FA8] =	sst s0  }
0x9: {  	[smem:$0x3FA9] =	sst s1  }
0xa: {  	[smem:$0x3FAA] =	sst s2  }
0xb: {  	[smem:$0x3FAB] =	sst s3  }
0xc: {  	[smem:$0x3FAC] =	sst s4  }
0xd: {  	[smem:$0x3FAD] =	sst s5  }
0xe: {  	[smem:$0x3FAE] =	sst s6  }
0xf: {  	[smem:$0x3FAF] =	sst s7  }
0x10: {  	[smem:$0x3FB0] =	sst s8  }
0x11: {  	[smem:$0x3FB1] =	sst s9;
	s0 =	simm.s32 @!p0 $0x0  }
0x12: {  	s1 =	sld [smem:$0x3F97];
	s0 =	simm.s32 @p0 $0x1  }
0x13: {  	[smem:$0x3FB2] =	sst s0;
	s0 =	simm.s32 @!p1 $0x0  }
0x14: {  	s2 =	sld [smem:$0x3F96];
	s0 =	simm.s32 @p1 $0x1  }
0x15: {  	[smem:$0x3FB3] =	sst s0;
	s0 =	simm.s32 @!p2 $0x0  }
0x16: {  	s3 =	sld [smem:$0x3FDB];
	s0 =	simm.s32 @p2 $0x1  }
0x17: {  	s4 =	simm.s32 $0x1BF5;
	[smem:$0x3FB5] =	sst s0  }
0x18: {  	s0 =	sld [smem:$0x3F98];
	_ =	swait.ge [sflag:s4], $0x0  }
0x19: {  	s7 =	sld [smem:$0x3F99]  }
0x1a: {  	s8 =	sadd.s32 $0xFFFFE003, lr  }
0x1b: {  	s9 =	sadd.s32 $0xFFFFFEF7, lr;
	s5 =	simm.s32 $0xFFFFFFFF;
	p2 =	slt.u32 s8, $0xFFFFF086  }
0x1c: {  	p1 =	slt.u32 s9, $0xF7A;
	s5 =	simm.s32 @!p2 $0x0  }
0x1d: {  	s5 =	simm.s32 @p1 $0x1;
	p0 =	seq.s32 s7, s2  }
0x1e: {  	s7 =	smul.u32 @!p0 $0xF7A, s2;
	p2 =	seq.s32 @!p0 s5, $0x0  }
0x1f: {  	s9 =	smul.u32 $0xF7A, s1;
	s8 =	simm.s32 @!p0 $0x1BF5;
	p2 =	por !p2, p0  }
0x20: {  	[sflag:s8] =	ssyncset.s32 @!p0 $0xFFFFF086;
	s6 =	sadd.s32 @!p0 s3, s7;
	s7 =	simm.s32 @!p0 $0x108  }
0x21: {  	s3 =	sadd.s32 s3, s9;
	s6 =	sadd.s32 @!p0 $0x88, s6;
	s7 =	simm.s32 @p2 $0x1082  }
0x22: {  	[simem:s7], [sflag:s8] =	dma.local @!p0 [hbm:s6], $0xF7A  }
0x23: {  	s9 =	sor.u32 $0xD0000000, s2;
	s6 =	simm.s32 $0x108;
	_ =	swait.ge @!p0 [sflag:s8], $0x0  }
0x24: {  	s3 =	sadd.s32 $0x88, s3;
	s6 =	simm.s32 @!p1 $0x1082;
	[sflag:s4] =	ssyncset.s32 $0xFFFFF086  }
0x25: {  	[simem:s6], [sflag:s4] =	dma.local [hbm:s3], $0xF7A  }
0x26: {  	[smem:$0x3F99] =	sst s1;
	(tag) =	ssettag s2;
	_ =	strace s9  }
0x27: {  	s1 =	sld [smem:$0x3FA9]  }
0x28: {  	s2 =	sld [smem:$0x3FAA]  }
0x29: {  	s4 =	sld [smem:$0x3FAC]  }
0x2a: {  	p0 =	seq.s32 s5, $0x0;
	s5 =	sld [smem:$0x3FAD]  }
0x2b: {  	s6 =	sld [smem:$0x3FAE]  }
0x2c: {  	s7 =	sld [smem:$0x3FAF]  }
0x2d: {  	s3 =	simm.s32 $0x108;
	s8 =	sld [smem:$0x3FB0]  }
0x2e: {  	s3 =	simm.s32 @!p0 $0x1082;
	s9 =	sld [smem:$0x3FB1]  }
0x2f: {  	lr =	sadd.s32 s0, s3;
	s0 =	sld [smem:$0x3FA8]  }
0x30: {  	s3 =	sld [smem:$0x3FAB]  }
0x31: {  	[smem:$0x3FB4] =	sst s10  }
0x32: {  	s10 =	sld [smem:$0x3FB2];
	_ =	sdelay $0x3  }
0x33: {  	p0 =	seq.s32 s10, $0x1;
	s10 =	sld [smem:$0x3FB4];
	_ =	sdelay $0x3  }
0x34: {  	[smem:$0x3FB4] =	sst s10  }
0x35: {  	s10 =	sld [smem:$0x3FB3];
	_ =	sdelay $0x3  }
0x36: {  	p1 =	seq.s32 s10, $0x1;
	s10 =	sld [smem:$0x3FB4];
	_ =	sdelay $0x3  }
0x37: {  	[smem:$0x3FB4] =	sst s10  }
0x38: {  	s10 =	sld [smem:$0x3FB5]  }
0x39: {  	_ = 	snop;
	(pc) =	sbr.ind lr, $3  }
0x3a: {  	_ = 	snop  }
0x3b: {  	_ = 	snop  }
0x3c: {  	p2 =	seq.s32 s10, $0x1;
	s10 =	sld [smem:$0x3FB4]  }
0x3d: {  	_ =	shalt  }
0x3e: {  	_ =	shalt  }
0x3f: {  	_ =	shalt  }
0x40: {  	_ =	shalt  }
0x41: {  	_ =	shalt  }
0x42: {  	_ =	shalt  }
0x43: {  	_ =	shalt  }
0x44: {  	_ =	shalt  }
0x45: {  	_ =	shalt  }
0x46: {  	_ =	shalt  }
0x47: {  	_ =	shalt  }
0x48: {  	_ =	shalt  }
0x49: {  	_ =	shalt  }
0x4a: {  	_ =	shalt  }
0x4b: {  	_ =	shalt  }
0x4c: {  	_ =	shalt  }
0x4d: {  	_ =	shalt  }
0x4e: {  	_ =	shalt  }
0x4f: {  	_ =	shalt  }
0x50: {  	_ =	shalt  }
0x51: {  	_ =	shalt  }
0x52: {  	_ =	shalt  }
0x53: {  	_ =	shalt  }
0x54: {  	_ =	shalt  }
0x55: {  	_ =	shalt  }
0x56: {  	_ =	shalt  }
0x57: {  	_ =	shalt  }
0x58: {  	_ =	shalt  }
0x59: {  	_ =	shalt  }
0x5a: {  	_ =	shalt  }
0x5b: {  	_ =	shalt  }
0x5c: {  	_ =	shalt  }
0x5d: {  	_ =	shalt  }
0x5e: {  	_ =	shalt  }
0x5f: {  	_ =	shalt  }
0x60: {  	_ =	shalt  }
0x61: {  	_ =	shalt  }
0x62: {  	_ =	shalt  }
0x63: {  	_ =	shalt  }
0x64: {  	_ =	shalt  }
0x65: {  	_ =	shalt  }
0x66: {  	_ =	shalt  }
0x67: {  	_ =	shalt  }
0x68: {  	_ =	shalt  }
0x69: {  	_ =	shalt  }
0x6a: {  	_ =	shalt  }
0x6b: {  	_ =	shalt  }
0x6c: {  	_ =	shalt  }
0x6d: {  	_ =	shalt  }
0x6e: {  	_ =	shalt  }
0x6f: {  	_ =	shalt  }
0x70: {  	_ =	shalt  }
0x71: {  	_ =	shalt  }
0x72: {  	_ =	shalt  }
0x73: {  	_ =	shalt  }
0x74: {  	_ =	shalt  }
0x75: {  	_ =	shalt  }
0x76: {  	_ =	shalt  }
0x77: {  	_ =	shalt  }
0x78: {  	_ =	shalt  }
0x79: {  	_ =	shalt  }
0x7a: {  	_ =	shalt  }
0x7b: {  	_ =	shalt  }
0x7c: {  	_ =	shalt  }
0x7d: {  	_ =	shalt  }
0x7e: {  	_ =	shalt  }
0x7f: {  	_ =	shalt  }
0x80: {  	_ =	shalt  }
0x81: {  	_ =	shalt  }
0x82: {  	_ =	shalt  }
0x83: {  	_ =	shalt  }
0x84: {  	_ =	shalt  }
0x85: {  	_ =	shalt  }
0x86: {  	_ =	shalt  }
0x87: {  	_ =	shalt  }
.Lfunc_end0:
.L_simem_size_0:
called_computation.3_lowered:
.L_overlay_start_0:
0x88: {  	s2 =	sld [smem:$0x3FD9]  }
0x89: {  	s3 =	sld [smem:$0x3FFE];
	_ =	sdelay $0x1  }
0x8a: {  	s1 =	srdreg.scid  }
0x8b: {  	s0 =	sand.u32 $0x1, s1  }
0x8c: {  	s17 =	sshll.u32 s0, $0xA;
	s2 =	sadd.s32 s3, s2  }
0x8d: {  	s2 =	sadd.s32 s2, s17  }
0x8e: {  	[smem:$0x3FC0] =	sst s2  }
0x8f: {  	_ = 	snop  }
0x90: {  	s2 =	sld [smem:$0x3FD0];
	(tm) =	ssettm $0x1  }
0x91: {  	s18 =	sld [smem:$0x3FFB];
	_ =	sdelay $0x3  }
0x92: {  	_ =	strace s18  }
0x93: {  	s3 =	sld [smem:$0x3FFC];
	_ =	sdelay $0x3  }
0x94: {  	_ =	strace s3  }
0x95: {  	s3 =	sld [smem:$0x3FFD];
	_ =	sdelay $0x3  }
0x96: {  	_ =	strace s3  }
0x97: {  	_ =	strace $0x8FFFFFFF  }
0x98: {  	s19 =	sld [smem:$0x3FDB];
	_ =	sdelay $0x1  }
0x99: {  	s4 =	simm.s32 $_scs_section_size  }
0x9a: {  	s5 =	simm.s32 $_size__tile_overlayer_lowered;
	s6 =	simm.s32 $_tile_overlayer_lowered  }
0x9b: {  	s22 =	simm.s32 $0x1BFF;
	s21 =	sshll.u32 s6, $0x1;
	s3 =	sadd.s32 s4, s19  }
0x9c: {  	s7 =	simm.s32 $0x0;
	s20 =	sshll.u32 s5, $0x1;
	s5 =	sadd.s32 s21, s3  }
0x9d: {  	[timem:s7], [sflag:s22] =	dma.local [hbm:s5], s20  }
0x9e: {  	_ =	swait.ge [sflag:s22], s20  }
0x9f: {  	s4 =	ssub.s32 $0x0, s20;
	[sflag:s22] =	ssyncset.done $0x0  }
0xa0: {  	[sflag:s22] =	ssyncadd.s32 s4;
	_ =	sdelay $0x1  }
0xa1: {  	s23 =	simm.s32 $0x1B8B  }
0xa2: {  	_ =	swait.ge [sflag:s23], $0x1  }
0xa3: {  	[sflag:s23] =	ssyncset.done $0x0  }
0xa4: {  	s25 =	simm.s32 $0x1B8E;
	s24 =	sld [smem:$0x3FFE];
	[sflag:s23] =	ssyncadd.s32 $0xFFFFFFFF  }
0xa5: {  	s26 =	simm.s32 $execute0_lowered;
	[smem:$0x3FD2] =	sst s25  }
0xa6: {  	s5 =	sshll.u32 s26, $0x1;
	_ =	strace $0x8000004F;
	[dreg:$0x1] =	wrdreg $0xFFFFFFFF  }
0xa7: {  	s28 =	simm.s32 $_size_execute0_lowered;
	s3 =	sadd.s32 s3, s5;
	[dreg:$0x0] =	wrdreg $0x0  }
0xa8: {  	s5 =	sshll.u32 s28, $0x1;
	[dreg:$0x2] =	wrdreg s3  }
0xa9: {  	[dreg:$0x3] =	wrdreg s5  }
0xaa: {  	[dreg:$0x4] =	wrdreg $0xC0  }
0xab: {  	_ =	task [dreg:s7], $0x5FFFF  }
0xac: {  	[dreg:$0x1] =	wrdreg $0xFFFFFFFF  }
0xad: {  	[dreg:$0x0] =	wrdreg $0x60  }
0xae: {  	[dreg:$0x2] =	wrdreg s24  }
0xaf: {  	[dreg:$0x3] =	wrdreg s2  }
0xb0: {  	[dreg:$0x4] =	wrdreg $0x29000  }
0xb1: {  	[dreg:$0x5] =	wrdreg $0x9  }
0xb2: {  	_ =	task.clear_ibuf [dreg:s7], $0x6FFFF;
	_ =	strace $0x9000004F  }
0xb3: {  	s29 =	simm.s32 $0x9;
	_ =	strace $0x80000051  }
0xb4: {  	_ =	swait.ge [sflag:s29], $0x1  }
0xb5: {  	[sflag:s29] =	ssyncadd.s32 $0xFFFFFFFF  }
0xb6: {  	_ =	strace $0x90000051  }
0xb7: {  	_ =	sfence  }
0xb8: {  	s30 =	sld [smem:$0x0];
	_ =	sdelay $0x2  }
0xb9: {  	s31 =	sshll.u32 s1, $0xD;
	s1 =	sshrl.u32 s1, $0x2  }
0xba: {  	s3 =	sand.u32 $0x4000, s31;
	s1 =	sadd.s32 s1, s30  }
0xbb: {  	s0 =	sor.u32 s3, s0;
	s1 =	sshll.u32 s1, $0x11  }
0xbc: {  	s0 =	sor.u32 s1, s0  }
0xbd: {  	s0 =	sadd.s32 $0x8F2B, s0  }
0xbe: {  	[sflag:s0] =	ssyncadd.remote.s32 $0x1  }
0xbf: {  	_ =	sfence.sel $0xFFFF  }
0xc0: {  	[dreg:$0x0] =	wrdreg $0xFFFFFFFF;
	(pc) =	sbr.abs _section_cstart, $3  }
0xc1: {  	[dreg:$0x1] =	wrdreg $0xFFFFFFFF  }
0xc2: {  	_ =	task.clear_ibuf [dreg:s7], $0x2FFFF;
	_ =	strace $0x9FFFFFFF  }
0xc3: {  	(tm) =	ssettm $0x7FFFFFFF  }
tec
execute0_lowered:
.L_overlay_start_1:
0x0: {  	(tag) =	ssettag $0x1  }
0x1: {  	s5 =	rddreg [dreg:$0x0]  }
0x2: {  	s0 =	srdreg.scid;
	s10 =	rddreg [dreg:$0x1]  }
0x3: {  	s2 =	rddreg [dreg:$0x2];
	s6 =	sand.u32 $0x1, s0  }
0x4: {  	s0 =	stileid.u32;
	s4 =	smul.u32 $0x27100, s6  }
0x5: {  	s1 =	rddreg [dreg:$0x3];
	s3 =	simm.s32 $0x0;
	s7 =	smul.u32 $0x2710, s0  }
0x6: {  	s15 =	simm.s32 $0x100;
	s16 =	simm.s32 $0x1;
	s28 =	smul.u32 $0x13C00, s0  }
0x7: {  	s17 =	simm.s32 $0x0;
	[smem:$0x7FF] =	sst s3;
	s8 =	smul.u32 $0x13C000, s6  }
0x8: {  	_ =	strace $0x80000050;
	s6 =	ssub.s32 $0x2, s6;
	s29 =	smul.u32 $0x4F000, s0  }
0x9: {  	s31 =	sshll.u32 s0, $0x6;
	s13 =	sshrl.u32 s6, $0x1;
	s4 =	sadd.s32 s7, s4  }
0xa: {  	s12 =	sshrl.u32 s28, $0x3;
	s7 =	sadd.s32 s28, s8;
	s13 =	ssub.s32 s6, s13  }
0xb: {  	s30 =	sshrl.u32 s29, $0x2;
	s6 =	sor.u32 $0x1C02, s31;
	s11 =	sshrl.u32 s4, $0x3  }
0xc: {  	s4 =	sadd.s32 $0x34000, s5;
	s12 =	sadd.s32 s12, s5;
	s7 =	sshrl.u32 s7, $0x3  }
0xd: {  	s14 =	sadd.s32 s30, s2;
	s8 =	smax.u32 s13, $0x1;
	s13 =	simm.s32 $0x80  }
0xe: {  	s9 =	sadd.s32 s11, s5;
	s7 =	sadd.s32 s7, s5;
	s5 =	sadd.s32 $0xC800, s12  }
0xf: {  	s10 =	sadd.s32 s11, s10;
	s11 =	sshrl.u32 s14, $0x3;
	s12 =	simm.s32 $0x2  }
0x10: {  	s14 =	simm.s32 $0x50;
	s7 =	sadd.s32 $0x5B200, s7;
	s9 =	sadd.s32 $0x2A00, s9  }
.LBB2_1:
0x11: {  	[spmem:s11], [sflag:s6] =	dma.local [hbm:s5], $0x2780  }
0x12: {  	_ =	swait.ge [sflag:s12], $0x2780  }
0x13: {  	[sflag:s12] =	ssyncset.done $0x0  }
0x14: {  	[sflag:s12] =	ssyncadd.s32 $0xFFFFD880  }
0x15: {  	s18 =	sadd.s32 $0x0, s10;
	[bflag:$0x0] =	sbarrier.arrive $0xFFFF  }
0x16: {  	[tilespmem:s3], [sflag:$0x2] =	stream.linear.gather [hbm4b:s18+s3], $0x50, $0x38;
	[tilespmem:$0x16500] =	vst v63  }
0x17: {  	_ =	swait.ge [sflag:s12], $0x50  }
0x18: {  	[sflag:s12] =	ssyncset.done $0x0  }
0x19: {  	s31 =	sadd.s32 $0x0, s9;
	[sflag:s12] =	ssyncadd.s32 $0xFFFFFFB0  }
0x1a: {  	[tilespmem:s13], [sflag:$0x2] =	stream.linear.gather [hbm4b:s31+s3], $0x50, $0x38;
	[tilespmem:$0x16500] =	vst v63  }
0x1b: {  	_ =	swait.ge [sflag:s12], $0x50  }
0x1c: {  	[sflag:s12] =	ssyncset.done $0x0  }
0x1d: {  	[sflag:s12] =	ssyncadd.s32 $0xFFFFFFB0  }
0x1e: {  	[tilespmem:s15], [sflag:$0x1] =	stream.indirect.gather [hbm4b:s4+s14], $0x80, s3, s14, $0xb8;
	[tilespmem:$0x16500] =	vst v63  }
0x1f: {  	_ =	swait.ge [sflag:s16], $0x2800  }
0x20: {  	[sflag:s16] =	ssyncset.done $0x0  }
0x21: {  	[sflag:s16] =	ssyncadd.s32 $0xFFFFD800  }
0x22: {  	[spmem:s2] =	stream.indirect.scatter.add.f32 [tilespmem:s15], [sflag:$0x2], $0x80, s13, s14, $0xb8;
	[tilespmem:$0x16500] =	vst v63  }
0x23: {  	_ =	swait.ge [sflag:s12], $0x2800  }
0x24: {  	s19 =	simm.s32 $0x14;
	s18 =	simm.s32 $0xA;
	[sflag:s12] =	ssyncset.done $0x0  }
.LBB2_2:
0x25: {  	s20 =	sadd.s32 s18, s10  }
0x26: {  	[sflag:s12] =	ssyncadd.s32 $0xFFFFD800;
	s21 =	smov.u32 s19;
	s22 =	sadd.s32 $0xA, s19  }
0x27: {  	[tilespmem:s3], [sflag:$0x2] =	stream.linear.gather [hbm4b:s20+s3], $0x50, $0x38;
	[tilespmem:$0x16500] =	vst v63  }
0x28: {  	p0 =	sne.s32 s19, $0x4D8;
	_ =	swait.ge [sflag:s12], $0x50  }
0x29: {  	[sflag:s12] =	ssyncset.done $0x0  }
0x2a: {  	s19 =	sadd.s32 s18, s9;
	s18 =	smov.u32 s21;
	[sflag:s12] =	ssyncadd.s32 $0xFFFFFFB0  }
0x2b: {  	[tilespmem:s13], [sflag:$0x2] =	stream.linear.gather [hbm4b:s19+s3], $0x50, $0x38;
	[tilespmem:$0x16500] =	vst v63  }
0x2c: {  	_ =	swait.ge [sflag:s12], $0x50  }
0x2d: {  	[sflag:s12] =	ssyncset.done $0x0  }
0x2e: {  	[sflag:s12] =	ssyncadd.s32 $0xFFFFFFB0  }
0x2f: {  	[tilespmem:s15], [sflag:$0x1] =	stream.indirect.gather [hbm4b:s4+s14], $0x80, s3, s14, $0xb8;
	[tilespmem:$0x16500] =	vst v63  }
0x30: {  	_ =	swait.ge [sflag:s16], $0x2800  }
.Ltmp0:
0x31: {  	[sflag:s16] =	ssyncset.done $0x0;
	(pc) =	sbr.rel @p0 .LBB2_2-.Ltmp0, $4  }
0x32: {  	[sflag:s16] =	ssyncadd.s32 $0xFFFFD800  }
0x33: {  	[spmem:s2] =	stream.indirect.scatter.add.f32 [tilespmem:s15], [sflag:$0x2], $0x80, s13, s14, $0xb8;
	[tilespmem:$0x16500] =	vst v63  }
0x34: {  	_ =	swait.ge [sflag:s12], $0x2800  }
0x35: {  	s19 =	smov.u32 s22;
	[sflag:s12] =	ssyncset.done $0x0  }
0x36: {  	s19 =	sadd.s32 s18, s10;
	[sflag:s12] =	ssyncadd.s32 $0xFFFFD800  }
0x37: {  	[tilespmem:s3], [sflag:$0x2] =	stream.linear.gather [hbm4b:s19+s3], $0x50, $0x38;
	[tilespmem:$0x16500] =	vst v63  }
0x38: {  	_ =	swait.ge [sflag:s12], $0x50  }
0x39: {  	[sflag:s12] =	ssyncset.done $0x0  }
0x3a: {  	s31 =	sadd.s32 s18, s9;
	[sflag:s12] =	ssyncadd.s32 $0xFFFFFFB0  }
0x3b: {  	[tilespmem:s13], [sflag:$0x2] =	stream.linear.gather [hbm4b:s31+s3], $0x50, $0x38;
	[tilespmem:$0x16500] =	vst v63  }
0x3c: {  	_ =	swait.ge [sflag:s12], $0x50  }
0x3d: {  	[sflag:s12] =	ssyncset.done $0x0  }
0x3e: {  	[sflag:s12] =	ssyncadd.s32 $0xFFFFFFB0  }
0x3f: {  	[tilespmem:s15], [sflag:$0x1] =	stream.indirect.gather [hbm4b:s4+s14], $0x80, s3, s14, $0xb8;
	[tilespmem:$0x16500] =	vst v63  }
0x40: {  	_ =	swait.ge [sflag:s16], $0x2800  }
0x41: {  	[sflag:s16] =	ssyncset.done $0x0  }
0x42: {  	[sflag:s16] =	ssyncadd.s32 $0xFFFFD800  }
0x43: {  	[spmem:s2] =	stream.indirect.scatter.add.f32 [tilespmem:s15], [sflag:$0x2], $0x80, s13, s14, $0xb8;
	[tilespmem:$0x16500] =	vst v63  }
0x44: {  	_ =	swait.ge [sflag:s12], $0x2800  }
0x45: {  	s17 =	sadd.s32 $0x1, s17;
	[sflag:s12] =	ssyncset.done $0x0  }
0x46: {  	p0 =	sne.s32 s17, s8;
	[sflag:s12] =	ssyncadd.s32 $0xFFFFD800  }
.Ltmp1:
0x47: {  	[bflag:$0x0] =	sbarrier.arrive $0xFFFF;
	(pc) =	sbr.rel @p0 .LBB2_1-.Ltmp1, $4  }
0x48: {  	[hbm:s7], [sflag:s6] =	dma.local [spmem:s11], $0x2780  }
0x49: {  	_ =	swait.ge [sflag:s12], $0x2780  }
0x4a: {  	[sflag:s12] =	ssyncset.done $0x0  }
0x4b: {  	[sflag:s12] =	ssyncadd.s32 $0xFFFFD880  }
0x4c: {  	_ =	sfence.sel $0x180000  }
0x4d: {  	[bflag:$0x0] =	sbarrier.arrive $0xFFFF  }
0x4e: {  	p0 =	sne.s32 s0, $0x0;
	_ =	strace $0x90000050  }
0x4f: {  	s0 =	sadd.s32 @!p0 $0x100000, s1;
	[bflag:$0x2] =	sbarrier.arrive $0xFFFF  }
0x50: {  	[sflag:s0] =	ssyncadd.tile.s32 @!p0 $0x1;
	_ =	shalt  }
.Lfunc_end2:
_tile_overlayer_lowered:
.L_overlay_start_2:
0x51: {  	(tag) =	ssettag $0x2  }
0x52: {  	s0 =	rddreg [dreg:$0x0];
	s2 =	stileid.u32  }
0x53: {  	s1 =	rddreg [dreg:$0x1];
	p0 =	sne.s32 s2, $0x0  }
0x54: {  	s3 =	rddreg [dreg:$0x2];
	[bflag:$0x3] =	sbarrier.arrive $0xFFFF;
	s2 =	simm.s32 @!p0 $0x1C02  }
0x55: {  	[timem:s3], [sflag:s2] =	dma.local @!p0 [hbm:s0], s1  }
0x56: {  	s0 =	simm.s32 @!p0 $0x2  }
0x57: {  	_ =	swait.ge @!p0 [sflag:s0], s1  }
0x58: {  	s1 =	ssub.s32 @!p0 $0x0, s1;
	[sflag:s0] =	ssyncset.done @!p0 $0x0  }
0x59: {  	[sflag:s0] =	ssyncadd.s32 @!p0 s1  }
0x5a: {  	[bflag:$0x3] =	sbarrier.arrive $0xFFFF  }
0x5b: {  	_ =	shalt  }

</sc_bundles>
